<compile_context>
chip_gen: v7x
topology: tpu7x:2x2x1
jax: 0.10.2.dev20260603
libtpu: 0.0.44.dev20260713+nightly
codegen_flags: <defaults>
</compile_context>

<pallas_src>
import functools

import jax
import jax.numpy as jnp
from jax import lax
from jax.experimental import pallas as pl
from jax.experimental.pallas import tpu as pltpu
from jax.experimental.pallas import tpu_sc as plsc

SEQ_LEN = 8192
EMBED_DIM = 1024

_info = plsc.get_sparse_core_info()
_NC, _NS = _info.num_cores, _info.num_subcores
_NW = _NC * _NS
_ROWS_PER_W = SEQ_LEN // _NW
_CH = 32
_NCHUNK = _ROWS_PER_W // _CH

_mesh = plsc.VectorSubcoreMesh(core_axis_name="c", subcore_axis_name="s")


def _pipeline_ops(n, nbuf=2):
    ops = [("si", i) for i in range(nbuf)]
    ops += [("wi", 0), ("so", 0)]
    for i in range(1, n):
        ops += [("wi", i), ("so", i), ("wo", i - 1)]
        if i + 1 < n:
            ops.append(("si", i + 1))
    ops.append(("wo", n - 1))
    return ops


@functools.partial(
    pl.kernel,
    mesh=_mesh,
    out_type=jax.ShapeDtypeStruct((SEQ_LEN, EMBED_DIM), jnp.float32),
    scratch_types=[
        pltpu.VMEM((2, _CH, EMBED_DIM), jnp.float32),
        pltpu.VMEM_SHARED((_NS, 2, _CH, EMBED_DIM), jnp.float32),
        pltpu.SemaphoreType.DMA((2,)),
        pltpu.SemaphoreType.DMA((2,)),
        pltpu.SemaphoreType.DMA((2,)),
        pltpu.SemaphoreType.DMA((2,)),
    ],
)
def _copy_rows(emb_hbm, out_hbm, stage_t, stage_s, in_t, out_t, in_s, out_s):
    c = lax.axis_index("c")
    s = lax.axis_index("s")
    base = (s * _NC + c) * _ROWS_PER_W

    def mk(stage, in_sems, out_sems, off):
        def in_copy(i):
            return pltpu.make_async_copy(
                emb_hbm.at[pl.ds(base + (off + i) * _CH, _CH)],
                stage.at[i % 2],
                in_sems.at[i % 2],
            )

        def out_copy(i):
            return pltpu.make_async_copy(
                stage.at[i % 2],
                out_hbm.at[pl.ds(base + (off + i) * _CH, _CH)],
                out_sems.at[i % 2],
            )

        return in_copy, out_copy

    split = 6
    a_in, a_out = mk(stage_t, in_t, out_t, 0)
    b_in, b_out = mk(stage_s.at[s], in_s, out_s, split)
    ops_a = _pipeline_ops(split)
    ops_b = _pipeline_ops(_NCHUNK - split)
    run = {
        "si": lambda f, i: f[0](i).start(),
        "so": lambda f, i: f[1](i).start(),
        "wi": lambda f, i: f[0](i).wait(),
        "wo": lambda f, i: f[1](i).wait(),
    }
    for j in range(max(len(ops_a), len(ops_b))):
        if j < len(ops_a):
            k, i = ops_a[j]
            run[k]((a_in, a_out), i)
        if j < len(ops_b):
            k, i = ops_b[j]
            run[k]((b_in, b_out), i)


def kernel(x, embedding):
    del x
    return _copy_rows(embedding)

# --- scband reference (transcript-rebuilt; emitter-appended) ---
"""Pipeline reference for scband-positional-embedding-74388833566814 (READ-ONLY COPY).

The authoritative reference and input builder live on the scoring server;
editing this copy changes nothing except your own understanding.
"""

import jax, jax.numpy as jnp
import numpy as np

MAX_LEN = 8192
EMBED_DIM = 1024
SEQ_LEN = 8192

def setup_inputs(seed: int = 0) -> dict:
    key = jax.random.key(seed)
    k_emb, k_x = jax.random.split(key)
    embedding = jax.random.normal(k_emb, (1 + MAX_LEN, EMBED_DIM), dtype=jnp.float32)
    x = jax.random.randint(k_x, (SEQ_LEN,), 0, SEQ_LEN, dtype=jnp.int64 if jax.config.jax_enable_x64 else jnp.int32)
    return {"x": x, "embedding": embedding}

def reference(x, embedding):
    # PositionalEmbedding.embed: return first x.shape[0] rows of the table
    return embedding[:x.shape[0]]

if __name__ == "__main__":
    import jax
    _d = setup_inputs()
    print(jax.jit(kernel)(*tuple(_d.values())))

</pallas_src>

<mosaic_0001>
#map = affine_map<(d0, d1) -> (0, 0)>
module attributes {stable_mosaic.version = 14 : i64} {
  func.func @_copy_rows(%arg0: i32, %arg1: i32, %arg2: memref<8193x1024xf32, #tpu.memory_space<hbm>>, %arg3: memref<8192x1024xf32, #tpu.memory_space<hbm>>, %arg4: memref<2x32x1024xf32, #tpu.memory_space<vmem>>, %arg5: memref<16x2x32x1024xf32, #tpu.memory_space<vmem_shared>>, %arg6: memref<2x!tpu.dma_semaphore, #tpu.memory_space<semaphore_mem>>, %arg7: memref<2x!tpu.dma_semaphore, #tpu.memory_space<semaphore_mem>>, %arg8: memref<2x!tpu.dma_semaphore, #tpu.memory_space<semaphore_mem>>, %arg9: memref<2x!tpu.dma_semaphore, #tpu.memory_space<semaphore_mem>>) attributes {dimension_semantics = [#tpu.dimension_semantics<core_parallel>, #tpu.dimension_semantics<subcore_parallel>], iteration_bounds = array<i64: 2, 16>, scalar_prefetch = 0 : i64, scratch_operands = 6 : i64, tpu.core_type = #tpu.core_type<sc_vector_subcore>, window_params = [{transform_indices = #map}, {transform_indices = #map}]} {
    %mul3A = arith.constant 2 : i32
    %mul3A_0 = arith.muli %arg1, %mul3A : i32
    %add3A = arith.addi %mul3A_0, %arg0 : i32
    %mul3A_1 = arith.constant 256 : i32
    %mul3A_2 = arith.muli %add3A, %mul3A_1 : i32
    %add3A_3 = arith.constant 0 : i32
    %add3A_4 = arith.addi %mul3A_2, %add3A_3 : i32
    %dma_start3A = arith.constant 0 : i32
    %dma_start3A_5 = arith.constant 0 : i32
    %dma_start3A_6 = arith.constant 0 : i32
    %dma_start3A_7 = arith.constant 0 : i32
    %dma_start3A_8 = tpu.memref_slice %arg4[%dma_start3A, %dma_start3A_6, %dma_start3A_7] : memref<2x32x1024xf32, #tpu.memory_space<vmem>> -> memref<1x32x1024xf32, #tpu.memory_space<vmem>>
    %dma_start3A_9 = tpu.memref_squeeze %dma_start3A_8 : memref<1x32x1024xf32, #tpu.memory_space<vmem>> -> memref<32x1024xf32, #tpu.memory_space<vmem>>
    %dma_start3A_10 = arith.constant 0 : i32
    %dma_start3A_11 = tpu.memref_slice %arg2[%add3A_4, %dma_start3A_10] : memref<8193x1024xf32, #tpu.memory_space<hbm>> -> memref<32x1024xf32, #tpu.memory_space<hbm>>
    %dma_start3A_12 = tpu.memref_slice %arg6[%dma_start3A_5] : memref<2x!tpu.dma_semaphore, #tpu.memory_space<semaphore_mem>> -> memref<1x!tpu.dma_semaphore, #tpu.memory_space<semaphore_mem>>
    %dma_start3A_13 = tpu.memref_squeeze %dma_start3A_12 : memref<1x!tpu.dma_semaphore, #tpu.memory_space<semaphore_mem>> -> memref<!tpu.dma_semaphore, #tpu.memory_space<semaphore_mem>>
    %dma_start3A_14 = arith.constant 0 : i32
    %dma_start3A_15 = arith.constant 0 : i32
    %dma_start3A_16 = tpu.memref_slice %arg4[%dma_start3A, %dma_start3A_14, %dma_start3A_15] : memref<2x32x1024xf32, #tpu.memory_space<vmem>> -> memref<1x32x1024xf32, #tpu.memory_space<vmem>>
    %dma_start3A_17 = tpu.memref_squeeze %dma_start3A_16 : memref<1x32x1024xf32, #tpu.memory_space<vmem>> -> memref<32x1024xf32, #tpu.memory_space<vmem>>
    %dma_start3A_18 = arith.constant 0 : i32
    %dma_start3A_19 = tpu.memref_slice %arg2[%add3A_4, %dma_start3A_18] : memref<8193x1024xf32, #tpu.memory_space<hbm>> -> memref<32x1024xf32, #tpu.memory_space<hbm>>
    tpu.enqueue_dma source(%dma_start3A_19 : memref<32x1024xf32, #tpu.memory_space<hbm>>) target(%dma_start3A_17 : memref<32x1024xf32, #tpu.memory_space<vmem>>) target_semaphore(%dma_start3A_13 : memref<!tpu.dma_semaphore, #tpu.memory_space<semaphore_mem>>)
    %add3A_20 = arith.constant 192 : i32
    %add3A_21 = arith.addi %mul3A_2, %add3A_20 : i32
    %dma_start3A_22 = arith.constant 0 : i32
    %dma_start3A_23 = arith.constant 0 : i32
    %dma_start3A_24 = tpu.memref_slice %arg8[%dma_start3A_23] : memref<2x!tpu.dma_semaphore, #tpu.memory_space<semaphore_mem>> -> memref<1x!tpu.dma_semaphore, #tpu.memory_space<semaphore_mem>>
    %dma_start3A_25 = tpu.memref_squeeze %dma_start3A_24 : memref<1x!tpu.dma_semaphore, #tpu.memory_space<semaphore_mem>> -> memref<!tpu.dma_semaphore, #tpu.memory_space<semaphore_mem>>
    %dma_start3A_26 = arith.constant 0 : i32
    %dma_start3A_27 = arith.constant 0 : i32
    %dma_start3A_28 = arith.constant 0 : i32
    %dma_start3A_29 = tpu.memref_slice %arg5[%arg1, %dma_start3A_26, %dma_start3A_27, %dma_start3A_28] : memref<16x2x32x1024xf32, #tpu.memory_space<vmem_shared>> -> memref<1x2x32x1024xf32, #tpu.memory_space<vmem_shared>>
    %dma_start3A_30 = tpu.memref_squeeze %dma_start3A_29 : memref<1x2x32x1024xf32, #tpu.memory_space<vmem_shared>> -> memref<2x32x1024xf32, #tpu.memory_space<vmem_shared>>
    %dma_start3A_31 = arith.constant 0 : i32
    %dma_start3A_32 = arith.constant 0 : i32
    %dma_start3A_33 = tpu.memref_slice %dma_start3A_30[%dma_start3A_22, %dma_start3A_31, %dma_start3A_32] : memref<2x32x1024xf32, #tpu.memory_space<vmem_shared>> -> memref<1x32x1024xf32, #tpu.memory_space<vmem_shared>>
    %dma_start3A_34 = tpu.memref_squeeze %dma_start3A_33 : memref<1x32x1024xf32, #tpu.memory_space<vmem_shared>> -> memref<32x1024xf32, #tpu.memory_space<vmem_shared>>
    %dma_start3A_35 = arith.constant 0 : i32
    %dma_start3A_36 = tpu.memref_slice %arg2[%add3A_21, %dma_start3A_35] : memref<8193x1024xf32, #tpu.memory_space<hbm>> -> memref<32x1024xf32, #tpu.memory_space<hbm>>
    tpu.enqueue_dma source(%dma_start3A_36 : memref<32x1024xf32, #tpu.memory_space<hbm>>) target(%dma_start3A_34 : memref<32x1024xf32, #tpu.memory_space<vmem_shared>>) target_semaphore(%dma_start3A_25 : memref<!tpu.dma_semaphore, #tpu.memory_space<semaphore_mem>>)
    %add3A_37 = arith.constant 32 : i32
    %add3A_38 = arith.addi %mul3A_2, %add3A_37 : i32
    %dma_start3A_39 = arith.constant 1 : i32
    %dma_start3A_40 = arith.constant 1 : i32
    %dma_start3A_41 = arith.constant 0 : i32
    %dma_start3A_42 = arith.constant 0 : i32
    %dma_start3A_43 = tpu.memref_slice %arg4[%dma_start3A_39, %dma_start3A_41, %dma_start3A_42] : memref<2x32x1024xf32, #tpu.memory_space<vmem>> -> memref<1x32x1024xf32, #tpu.memory_space<vmem>>
    %dma_start3A_44 = tpu.memref_squeeze %dma_start3A_43 : memref<1x32x1024xf32, #tpu.memory_space<vmem>> -> memref<32x1024xf32, #tpu.memory_space<vmem>>
    %dma_start3A_45 = arith.constant 0 : i32
    %dma_start3A_46 = tpu.memref_slice %arg2[%add3A_38, %dma_start3A_45] : memref<8193x1024xf32, #tpu.memory_space<hbm>> -> memref<32x1024xf32, #tpu.memory_space<hbm>>
    %dma_start3A_47 = tpu.memref_slice %arg6[%dma_start3A_40] : memref<2x!tpu.dma_semaphore, #tpu.memory_space<semaphore_mem>> -> memref<1x!tpu.dma_semaphore, #tpu.memory_space<semaphore_mem>>
    %dma_start3A_48 = tpu.memref_squeeze %dma_start3A_47 : memref<1x!tpu.dma_semaphore, #tpu.memory_space<semaphore_mem>> -> memref<!tpu.dma_semaphore, #tpu.memory_space<semaphore_mem>>
    %dma_start3A_49 = arith.constant 0 : i32
    %dma_start3A_50 = arith.constant 0 : i32
    %dma_start3A_51 = tpu.memref_slice %arg4[%dma_start3A_39, %dma_start3A_49, %dma_start3A_50] : memref<2x32x1024xf32, #tpu.memory_space<vmem>> -> memref<1x32x1024xf32, #tpu.memory_space<vmem>>
    %dma_start3A_52 = tpu.memref_squeeze %dma_start3A_51 : memref<1x32x1024xf32, #tpu.memory_space<vmem>> -> memref<32x1024xf32, #tpu.memory_space<vmem>>
    %dma_start3A_53 = arith.constant 0 : i32
    %dma_start3A_54 = tpu.memref_slice %arg2[%add3A_38, %dma_start3A_53] : memref<8193x1024xf32, #tpu.memory_space<hbm>> -> memref<32x1024xf32, #tpu.memory_space<hbm>>
    tpu.enqueue_dma source(%dma_start3A_54 : memref<32x1024xf32, #tpu.memory_space<hbm>>) target(%dma_start3A_52 : memref<32x1024xf32, #tpu.memory_space<vmem>>) target_semaphore(%dma_start3A_48 : memref<!tpu.dma_semaphore, #tpu.memory_space<semaphore_mem>>)
    %add3A_55 = arith.constant 224 : i32
    %add3A_56 = arith.addi %mul3A_2, %add3A_55 : i32
    %dma_start3A_57 = arith.constant 1 : i32
    %dma_start3A_58 = arith.constant 1 : i32
    %dma_start3A_59 = tpu.memref_slice %arg8[%dma_start3A_58] : memref<2x!tpu.dma_semaphore, #tpu.memory_space<semaphore_mem>> -> memref<1x!tpu.dma_semaphore, #tpu.memory_space<semaphore_mem>>
    %dma_start3A_60 = tpu.memref_squeeze %dma_start3A_59 : memref<1x!tpu.dma_semaphore, #tpu.memory_space<semaphore_mem>> -> memref<!tpu.dma_semaphore, #tpu.memory_space<semaphore_mem>>
    %dma_start3A_61 = arith.constant 0 : i32
    %dma_start3A_62 = arith.constant 0 : i32
    %dma_start3A_63 = arith.constant 0 : i32
    %dma_start3A_64 = tpu.memref_slice %arg5[%arg1, %dma_start3A_61, %dma_start3A_62, %dma_start3A_63] : memref<16x2x32x1024xf32, #tpu.memory_space<vmem_shared>> -> memref<1x2x32x1024xf32, #tpu.memory_space<vmem_shared>>
    %dma_start3A_65 = tpu.memref_squeeze %dma_start3A_64 : memref<1x2x32x1024xf32, #tpu.memory_space<vmem_shared>> -> memref<2x32x1024xf32, #tpu.memory_space<vmem_shared>>
    %dma_start3A_66 = arith.constant 0 : i32
    %dma_start3A_67 = arith.constant 0 : i32
    %dma_start3A_68 = tpu.memref_slice %dma_start3A_65[%dma_start3A_57, %dma_start3A_66, %dma_start3A_67] : memref<2x32x1024xf32, #tpu.memory_space<vmem_shared>> -> memref<1x32x1024xf32, #tpu.memory_space<vmem_shared>>
    %dma_start3A_69 = tpu.memref_squeeze %dma_start3A_68 : memref<1x32x1024xf32, #tpu.memory_space<vmem_shared>> -> memref<32x1024xf32, #tpu.memory_space<vmem_shared>>
    %dma_start3A_70 = arith.constant 0 : i32
    %dma_start3A_71 = tpu.memref_slice %arg2[%add3A_56, %dma_start3A_70] : memref<8193x1024xf32, #tpu.memory_space<hbm>> -> memref<32x1024xf32, #tpu.memory_space<hbm>>
    tpu.enqueue_dma source(%dma_start3A_71 : memref<32x1024xf32, #tpu.memory_space<hbm>>) target(%dma_start3A_69 : memref<32x1024xf32, #tpu.memory_space<vmem_shared>>) target_semaphore(%dma_start3A_60 : memref<!tpu.dma_semaphore, #tpu.memory_space<semaphore_mem>>)
    %add3A_72 = arith.constant 0 : i32
    %add3A_73 = arith.addi %mul3A_2, %add3A_72 : i32
    %dma_wait3A = arith.constant 0 : i32
    %dma_wait3A_74 = arith.constant 0 : i32
    %dma_wait3A_75 = arith.constant 0 : i32
    %dma_wait3A_76 = arith.constant 0 : i32
    %dma_wait3A_77 = tpu.memref_slice %arg4[%dma_wait3A, %dma_wait3A_75, %dma_wait3A_76] : memref<2x32x1024xf32, #tpu.memory_space<vmem>> -> memref<1x32x1024xf32, #tpu.memory_space<vmem>>
    %dma_wait3A_78 = tpu.memref_squeeze %dma_wait3A_77 : memref<1x32x1024xf32, #tpu.memory_space<vmem>> -> memref<32x1024xf32, #tpu.memory_space<vmem>>
    %dma_wait3A_79 = arith.constant 0 : i32
    %dma_wait3A_80 = tpu.memref_slice %arg2[%add3A_73, %dma_wait3A_79] : memref<8193x1024xf32, #tpu.memory_space<hbm>> -> memref<32x1024xf32, #tpu.memory_space<hbm>>
    %dma_wait3A_81 = tpu.memref_slice %arg6[%dma_wait3A_74] : memref<2x!tpu.dma_semaphore, #tpu.memory_space<semaphore_mem>> -> memref<1x!tpu.dma_semaphore, #tpu.memory_space<semaphore_mem>>
    %dma_wait3A_82 = tpu.memref_squeeze %dma_wait3A_81 : memref<1x!tpu.dma_semaphore, #tpu.memory_space<semaphore_mem>> -> memref<!tpu.dma_semaphore, #tpu.memory_space<semaphore_mem>>
    %dma_wait3A_83 = arith.constant 0 : i32
    %dma_wait3A_84 = arith.constant 0 : i32
    %dma_wait3A_85 = tpu.memref_slice %arg4[%dma_wait3A, %dma_wait3A_83, %dma_wait3A_84] : memref<2x32x1024xf32, #tpu.memory_space<vmem>> -> memref<1x32x1024xf32, #tpu.memory_space<vmem>>
    %dma_wait3A_86 = tpu.memref_squeeze %dma_wait3A_85 : memref<1x32x1024xf32, #tpu.memory_space<vmem>> -> memref<32x1024xf32, #tpu.memory_space<vmem>>
    %dma_wait3A_87 = arith.constant 0 : i32
    %dma_wait3A_88 = tpu.memref_slice %arg2[%add3A_73, %dma_wait3A_87] : memref<8193x1024xf32, #tpu.memory_space<hbm>> -> memref<32x1024xf32, #tpu.memory_space<hbm>>
    tpu.wait_dma2 semaphore(%dma_wait3A_82 : memref<!tpu.dma_semaphore, #tpu.memory_space<semaphore_mem>>) src(%dma_wait3A_88 : memref<32x1024xf32, #tpu.memory_space<hbm>>) dst(%dma_wait3A_86 : memref<32x1024xf32, #tpu.memory_space<vmem>>)
    %add3A_89 = arith.constant 192 : i32
    %add3A_90 = arith.addi %mul3A_2, %add3A_89 : i32
    %dma_wait3A_91 = arith.constant 0 : i32
    %dma_wait3A_92 = arith.constant 0 : i32
    %dma_wait3A_93 = tpu.memref_slice %arg8[%dma_wait3A_92] : memref<2x!tpu.dma_semaphore, #tpu.memory_space<semaphore_mem>> -> memref<1x!tpu.dma_semaphore, #tpu.memory_space<semaphore_mem>>
    %dma_wait3A_94 = tpu.memref_squeeze %dma_wait3A_93 : memref<1x!tpu.dma_semaphore, #tpu.memory_space<semaphore_mem>> -> memref<!tpu.dma_semaphore, #tpu.memory_space<semaphore_mem>>
    %dma_wait3A_95 = arith.constant 0 : i32
    %dma_wait3A_96 = arith.constant 0 : i32
    %dma_wait3A_97 = arith.constant 0 : i32
    %dma_wait3A_98 = tpu.memref_slice %arg5[%arg1, %dma_wait3A_95, %dma_wait3A_96, %dma_wait3A_97] : memref<16x2x32x1024xf32, #tpu.memory_space<vmem_shared>> -> memref<1x2x32x1024xf32, #tpu.memory_space<vmem_shared>>
    %dma_wait3A_99 = tpu.memref_squeeze %dma_wait3A_98 : memref<1x2x32x1024xf32, #tpu.memory_space<vmem_shared>> -> memref<2x32x1024xf32, #tpu.memory_space<vmem_shared>>
    %dma_wait3A_100 = arith.constant 0 : i32
    %dma_wait3A_101 = arith.constant 0 : i32
    %dma_wait3A_102 = tpu.memref_slice %dma_wait3A_99[%dma_wait3A_91, %dma_wait3A_100, %dma_wait3A_101] : memref<2x32x1024xf32, #tpu.memory_space<vmem_shared>> -> memref<1x32x1024xf32, #tpu.memory_space<vmem_shared>>
    %dma_wait3A_103 = tpu.memref_squeeze %dma_wait3A_102 : memref<1x32x1024xf32, #tpu.memory_space<vmem_shared>> -> memref<32x1024xf32, #tpu.memory_space<vmem_shared>>
    %dma_wait3A_104 = arith.constant 0 : i32
    %dma_wait3A_105 = tpu.memref_slice %arg2[%add3A_90, %dma_wait3A_104] : memref<8193x1024xf32, #tpu.memory_space<hbm>> -> memref<32x1024xf32, #tpu.memory_space<hbm>>
    tpu.wait_dma2 semaphore(%dma_wait3A_94 : memref<!tpu.dma_semaphore, #tpu.memory_space<semaphore_mem>>) src(%dma_wait3A_105 : memref<32x1024xf32, #tpu.memory_space<hbm>>) dst(%dma_wait3A_103 : memref<32x1024xf32, #tpu.memory_space<vmem_shared>>)
    %add3A_106 = arith.constant 0 : i32
    %add3A_107 = arith.addi %mul3A_2, %add3A_106 : i32
    %dma_start3A_108 = arith.constant 0 : i32
    %dma_start3A_109 = arith.constant 0 : i32
    %dma_start3A_110 = arith.constant 0 : i32
    %dma_start3A_111 = arith.constant 0 : i32
    %dma_start3A_112 = tpu.memref_slice %arg4[%dma_start3A_108, %dma_start3A_110, %dma_start3A_111] : memref<2x32x1024xf32, #tpu.memory_space<vmem>> -> memref<1x32x1024xf32, #tpu.memory_space<vmem>>
    %dma_start3A_113 = tpu.memref_squeeze %dma_start3A_112 : memref<1x32x1024xf32, #tpu.memory_space<vmem>> -> memref<32x1024xf32, #tpu.memory_space<vmem>>
    %dma_start3A_114 = arith.constant 0 : i32
    %dma_start3A_115 = tpu.memref_slice %arg3[%add3A_107, %dma_start3A_114] : memref<8192x1024xf32, #tpu.memory_space<hbm>> -> memref<32x1024xf32, #tpu.memory_space<hbm>>
    %dma_start3A_116 = tpu.memref_slice %arg7[%dma_start3A_109] : memref<2x!tpu.dma_semaphore, #tpu.memory_space<semaphore_mem>> -> memref<1x!tpu.dma_semaphore, #tpu.memory_space<semaphore_mem>>
    %dma_start3A_117 = tpu.memref_squeeze %dma_start3A_116 : memref<1x!tpu.dma_semaphore, #tpu.memory_space<semaphore_mem>> -> memref<!tpu.dma_semaphore, #tpu.memory_space<semaphore_mem>>
    %dma_start3A_118 = arith.constant 0 : i32
    %dma_start3A_119 = tpu.memref_slice %arg3[%add3A_107, %dma_start3A_118] : memref<8192x1024xf32, #tpu.memory_space<hbm>> -> memref<32x1024xf32, #tpu.memory_space<hbm>>
    %dma_start3A_120 = arith.constant 0 : i32
    %dma_start3A_121 = arith.constant 0 : i32
    %dma_start3A_122 = tpu.memref_slice %arg4[%dma_start3A_108, %dma_start3A_120, %dma_start3A_121] : memref<2x32x1024xf32, #tpu.memory_space<vmem>> -> memref<1x32x1024xf32, #tpu.memory_space<vmem>>
    %dma_start3A_123 = tpu.memref_squeeze %dma_start3A_122 : memref<1x32x1024xf32, #tpu.memory_space<vmem>> -> memref<32x1024xf32, #tpu.memory_space<vmem>>
    tpu.enqueue_dma source(%dma_start3A_123 : memref<32x1024xf32, #tpu.memory_space<vmem>>) target(%dma_start3A_119 : memref<32x1024xf32, #tpu.memory_space<hbm>>) target_semaphore(%dma_start3A_117 : memref<!tpu.dma_semaphore, #tpu.memory_space<semaphore_mem>>)
    %add3A_124 = arith.constant 192 : i32
    %add3A_125 = arith.addi %mul3A_2, %add3A_124 : i32
    %dma_start3A_126 = arith.constant 0 : i32
    %dma_start3A_127 = arith.constant 0 : i32
    %dma_start3A_128 = tpu.memref_slice %arg9[%dma_start3A_127] : memref<2x!tpu.dma_semaphore, #tpu.memory_space<semaphore_mem>> -> memref<1x!tpu.dma_semaphore, #tpu.memory_space<semaphore_mem>>
    %dma_start3A_129 = tpu.memref_squeeze %dma_start3A_128 : memref<1x!tpu.dma_semaphore, #tpu.memory_space<semaphore_mem>> -> memref<!tpu.dma_semaphore, #tpu.memory_space<semaphore_mem>>
    %dma_start3A_130 = arith.constant 0 : i32
    %dma_start3A_131 = tpu.memref_slice %arg3[%add3A_125, %dma_start3A_130] : memref<8192x1024xf32, #tpu.memory_space<hbm>> -> memref<32x1024xf32, #tpu.memory_space<hbm>>
    %dma_start3A_132 = arith.constant 0 : i32
    %dma_start3A_133 = arith.constant 0 : i32
    %dma_start3A_134 = arith.constant 0 : i32
    %dma_start3A_135 = tpu.memref_slice %arg5[%arg1, %dma_start3A_132, %dma_start3A_133, %dma_start3A_134] : memref<16x2x32x1024xf32, #tpu.memory_space<vmem_shared>> -> memref<1x2x32x1024xf32, #tpu.memory_space<vmem_shared>>
    %dma_start3A_136 = tpu.memref_squeeze %dma_start3A_135 : memref<1x2x32x1024xf32, #tpu.memory_space<vmem_shared>> -> memref<2x32x1024xf32, #tpu.memory_space<vmem_shared>>
    %dma_start3A_137 = arith.constant 0 : i32
    %dma_start3A_138 = arith.constant 0 : i32
    %dma_start3A_139 = tpu.memref_slice %dma_start3A_136[%dma_start3A_126, %dma_start3A_137, %dma_start3A_138] : memref<2x32x1024xf32, #tpu.memory_space<vmem_shared>> -> memref<1x32x1024xf32, #tpu.memory_space<vmem_shared>>
    %dma_start3A_140 = tpu.memref_squeeze %dma_start3A_139 : memref<1x32x1024xf32, #tpu.memory_space<vmem_shared>> -> memref<32x1024xf32, #tpu.memory_space<vmem_shared>>
    tpu.enqueue_dma source(%dma_start3A_140 : memref<32x1024xf32, #tpu.memory_space<vmem_shared>>) target(%dma_start3A_131 : memref<32x1024xf32, #tpu.memory_space<hbm>>) target_semaphore(%dma_start3A_129 : memref<!tpu.dma_semaphore, #tpu.memory_space<semaphore_mem>>)
    %add3A_141 = arith.constant 32 : i32
    %add3A_142 = arith.addi %mul3A_2, %add3A_141 : i32
    %dma_wait3A_143 = arith.constant 1 : i32
    %dma_wait3A_144 = arith.constant 1 : i32
    %dma_wait3A_145 = arith.constant 0 : i32
    %dma_wait3A_146 = arith.constant 0 : i32
    %dma_wait3A_147 = tpu.memref_slice %arg4[%dma_wait3A_143, %dma_wait3A_145, %dma_wait3A_146] : memref<2x32x1024xf32, #tpu.memory_space<vmem>> -> memref<1x32x1024xf32, #tpu.memory_space<vmem>>
    %dma_wait3A_148 = tpu.memref_squeeze %dma_wait3A_147 : memref<1x32x1024xf32, #tpu.memory_space<vmem>> -> memref<32x1024xf32, #tpu.memory_space<vmem>>
    %dma_wait3A_149 = arith.constant 0 : i32
    %dma_wait3A_150 = tpu.memref_slice %arg2[%add3A_142, %dma_wait3A_149] : memref<8193x1024xf32, #tpu.memory_space<hbm>> -> memref<32x1024xf32, #tpu.memory_space<hbm>>
    %dma_wait3A_151 = tpu.memref_slice %arg6[%dma_wait3A_144] : memref<2x!tpu.dma_semaphore, #tpu.memory_space<semaphore_mem>> -> memref<1x!tpu.dma_semaphore, #tpu.memory_space<semaphore_mem>>
    %dma_wait3A_152 = tpu.memref_squeeze %dma_wait3A_151 : memref<1x!tpu.dma_semaphore, #tpu.memory_space<semaphore_mem>> -> memref<!tpu.dma_semaphore, #tpu.memory_space<semaphore_mem>>
    %dma_wait3A_153 = arith.constant 0 : i32
    %dma_wait3A_154 = arith.constant 0 : i32
    %dma_wait3A_155 = tpu.memref_slice %arg4[%dma_wait3A_143, %dma_wait3A_153, %dma_wait3A_154] : memref<2x32x1024xf32, #tpu.memory_space<vmem>> -> memref<1x32x1024xf32, #tpu.memory_space<vmem>>
    %dma_wait3A_156 = tpu.memref_squeeze %dma_wait3A_155 : memref<1x32x1024xf32, #tpu.memory_space<vmem>> -> memref<32x1024xf32, #tpu.memory_space<vmem>>
    %dma_wait3A_157 = arith.constant 0 : i32
    %dma_wait3A_158 = tpu.memref_slice %arg2[%add3A_142, %dma_wait3A_157] : memref<8193x1024xf32, #tpu.memory_space<hbm>> -> memref<32x1024xf32, #tpu.memory_space<hbm>>
    tpu.wait_dma2 semaphore(%dma_wait3A_152 : memref<!tpu.dma_semaphore, #tpu.memory_space<semaphore_mem>>) src(%dma_wait3A_158 : memref<32x1024xf32, #tpu.memory_space<hbm>>) dst(%dma_wait3A_156 : memref<32x1024xf32, #tpu.memory_space<vmem>>)
    %add3A_159 = arith.constant 224 : i32
    %add3A_160 = arith.addi %mul3A_2, %add3A_159 : i32
    %dma_wait3A_161 = arith.constant 1 : i32
    %dma_wait3A_162 = arith.constant 1 : i32
    %dma_wait3A_163 = tpu.memref_slice %arg8[%dma_wait3A_162] : memref<2x!tpu.dma_semaphore, #tpu.memory_space<semaphore_mem>> -> memref<1x!tpu.dma_semaphore, #tpu.memory_space<semaphore_mem>>
    %dma_wait3A_164 = tpu.memref_squeeze %dma_wait3A_163 : memref<1x!tpu.dma_semaphore, #tpu.memory_space<semaphore_mem>> -> memref<!tpu.dma_semaphore, #tpu.memory_space<semaphore_mem>>
    %dma_wait3A_165 = arith.constant 0 : i32
    %dma_wait3A_166 = arith.constant 0 : i32
    %dma_wait3A_167 = arith.constant 0 : i32
    %dma_wait3A_168 = tpu.memref_slice %arg5[%arg1, %dma_wait3A_165, %dma_wait3A_166, %dma_wait3A_167] : memref<16x2x32x1024xf32, #tpu.memory_space<vmem_shared>> -> memref<1x2x32x1024xf32, #tpu.memory_space<vmem_shared>>
    %dma_wait3A_169 = tpu.memref_squeeze %dma_wait3A_168 : memref<1x2x32x1024xf32, #tpu.memory_space<vmem_shared>> -> memref<2x32x1024xf32, #tpu.memory_space<vmem_shared>>
    %dma_wait3A_170 = arith.constant 0 : i32
    %dma_wait3A_171 = arith.constant 0 : i32
    %dma_wait3A_172 = tpu.memref_slice %dma_wait3A_169[%dma_wait3A_161, %dma_wait3A_170, %dma_wait3A_171] : memref<2x32x1024xf32, #tpu.memory_space<vmem_shared>> -> memref<1x32x1024xf32, #tpu.memory_space<vmem_shared>>
    %dma_wait3A_173 = tpu.memref_squeeze %dma_wait3A_172 : memref<1x32x1024xf32, #tpu.memory_space<vmem_shared>> -> memref<32x1024xf32, #tpu.memory_space<vmem_shared>>
    %dma_wait3A_174 = arith.constant 0 : i32
    %dma_wait3A_175 = tpu.memref_slice %arg2[%add3A_160, %dma_wait3A_174] : memref<8193x1024xf32, #tpu.memory_space<hbm>> -> memref<32x1024xf32, #tpu.memory_space<hbm>>
    tpu.wait_dma2 semaphore(%dma_wait3A_164 : memref<!tpu.dma_semaphore, #tpu.memory_space<semaphore_mem>>) src(%dma_wait3A_175 : memref<32x1024xf32, #tpu.memory_space<hbm>>) dst(%dma_wait3A_173 : memref<32x1024xf32, #tpu.memory_space<vmem_shared>>)
    %add3A_176 = arith.constant 32 : i32
    %add3A_177 = arith.addi %mul3A_2, %add3A_176 : i32
    %dma_start3A_178 = arith.constant 1 : i32
    %dma_start3A_179 = arith.constant 1 : i32
    %dma_start3A_180 = arith.constant 0 : i32
    %dma_start3A_181 = arith.constant 0 : i32
    %dma_start3A_182 = tpu.memref_slice %arg4[%dma_start3A_178, %dma_start3A_180, %dma_start3A_181] : memref<2x32x1024xf32, #tpu.memory_space<vmem>> -> memref<1x32x1024xf32, #tpu.memory_space<vmem>>
    %dma_start3A_183 = tpu.memref_squeeze %dma_start3A_182 : memref<1x32x1024xf32, #tpu.memory_space<vmem>> -> memref<32x1024xf32, #tpu.memory_space<vmem>>
    %dma_start3A_184 = arith.constant 0 : i32
    %dma_start3A_185 = tpu.memref_slice %arg3[%add3A_177, %dma_start3A_184] : memref<8192x1024xf32, #tpu.memory_space<hbm>> -> memref<32x1024xf32, #tpu.memory_space<hbm>>
    %dma_start3A_186 = tpu.memref_slice %arg7[%dma_start3A_179] : memref<2x!tpu.dma_semaphore, #tpu.memory_space<semaphore_mem>> -> memref<1x!tpu.dma_semaphore, #tpu.memory_space<semaphore_mem>>
    %dma_start3A_187 = tpu.memref_squeeze %dma_start3A_186 : memref<1x!tpu.dma_semaphore, #tpu.memory_space<semaphore_mem>> -> memref<!tpu.dma_semaphore, #tpu.memory_space<semaphore_mem>>
    %dma_start3A_188 = arith.constant 0 : i32
    %dma_start3A_189 = tpu.memref_slice %arg3[%add3A_177, %dma_start3A_188] : memref<8192x1024xf32, #tpu.memory_space<hbm>> -> memref<32x1024xf32, #tpu.memory_space<hbm>>
    %dma_start3A_190 = arith.constant 0 : i32
    %dma_start3A_191 = arith.constant 0 : i32
    %dma_start3A_192 = tpu.memref_slice %arg4[%dma_start3A_178, %dma_start3A_190, %dma_start3A_191] : memref<2x32x1024xf32, #tpu.memory_space<vmem>> -> memref<1x32x1024xf32, #tpu.memory_space<vmem>>
    %dma_start3A_193 = tpu.memref_squeeze %dma_start3A_192 : memref<1x32x1024xf32, #tpu.memory_space<vmem>> -> memref<32x1024xf32, #tpu.memory_space<vmem>>
    tpu.enqueue_dma source(%dma_start3A_193 : memref<32x1024xf32, #tpu.memory_space<vmem>>) target(%dma_start3A_189 : memref<32x1024xf32, #tpu.memory_space<hbm>>) target_semaphore(%dma_start3A_187 : memref<!tpu.dma_semaphore, #tpu.memory_space<semaphore_mem>>)
    %add3A_194 = arith.constant 224 : i32
    %add3A_195 = arith.addi %mul3A_2, %add3A_194 : i32
    %dma_start3A_196 = arith.constant 1 : i32
    %dma_start3A_197 = arith.constant 1 : i32
    %dma_start3A_198 = tpu.memref_slice %arg9[%dma_start3A_197] : memref<2x!tpu.dma_semaphore, #tpu.memory_space<semaphore_mem>> -> memref<1x!tpu.dma_semaphore, #tpu.memory_space<semaphore_mem>>
    %dma_start3A_199 = tpu.memref_squeeze %dma_start3A_198 : memref<1x!tpu.dma_semaphore, #tpu.memory_space<semaphore_mem>> -> memref<!tpu.dma_semaphore, #tpu.memory_space<semaphore_mem>>
    %dma_start3A_200 = arith.constant 0 : i32
    %dma_start3A_201 = tpu.memref_slice %arg3[%add3A_195, %dma_start3A_200] : memref<8192x1024xf32, #tpu.memory_space<hbm>> -> memref<32x1024xf32, #tpu.memory_space<hbm>>
    %dma_start3A_202 = arith.constant 0 : i32
    %dma_start3A_203 = arith.constant 0 : i32
    %dma_start3A_204 = arith.constant 0 : i32
    %dma_start3A_205 = tpu.memref_slice %arg5[%arg1, %dma_start3A_202, %dma_start3A_203, %dma_start3A_204] : memref<16x2x32x1024xf32, #tpu.memory_space<vmem_shared>> -> memref<1x2x32x1024xf32, #tpu.memory_space<vmem_shared>>
    %dma_start3A_206 = tpu.memref_squeeze %dma_start3A_205 : memref<1x2x32x1024xf32, #tpu.memory_space<vmem_shared>> -> memref<2x32x1024xf32, #tpu.memory_space<vmem_shared>>
    %dma_start3A_207 = arith.constant 0 : i32
    %dma_start3A_208 = arith.constant 0 : i32
    %dma_start3A_209 = tpu.memref_slice %dma_start3A_206[%dma_start3A_196, %dma_start3A_207, %dma_start3A_208] : memref<2x32x1024xf32, #tpu.memory_space<vmem_shared>> -> memref<1x32x1024xf32, #tpu.memory_space<vmem_shared>>
    %dma_start3A_210 = tpu.memref_squeeze %dma_start3A_209 : memref<1x32x1024xf32, #tpu.memory_space<vmem_shared>> -> memref<32x1024xf32, #tpu.memory_space<vmem_shared>>
    tpu.enqueue_dma source(%dma_start3A_210 : memref<32x1024xf32, #tpu.memory_space<vmem_shared>>) target(%dma_start3A_201 : memref<32x1024xf32, #tpu.memory_space<hbm>>) target_semaphore(%dma_start3A_199 : memref<!tpu.dma_semaphore, #tpu.memory_space<semaphore_mem>>)
    %add3A_211 = arith.constant 0 : i32
    %add3A_212 = arith.addi %mul3A_2, %add3A_211 : i32
    %dma_wait3A_213 = arith.constant 0 : i32
    %dma_wait3A_214 = arith.constant 0 : i32
    %dma_wait3A_215 = arith.constant 0 : i32
    %dma_wait3A_216 = arith.constant 0 : i32
    %dma_wait3A_217 = tpu.memref_slice %arg4[%dma_wait3A_213, %dma_wait3A_215, %dma_wait3A_216] : memref<2x32x1024xf32, #tpu.memory_space<vmem>> -> memref<1x32x1024xf32, #tpu.memory_space<vmem>>
    %dma_wait3A_218 = tpu.memref_squeeze %dma_wait3A_217 : memref<1x32x1024xf32, #tpu.memory_space<vmem>> -> memref<32x1024xf32, #tpu.memory_space<vmem>>
    %dma_wait3A_219 = arith.constant 0 : i32
    %dma_wait3A_220 = tpu.memref_slice %arg3[%add3A_212, %dma_wait3A_219] : memref<8192x1024xf32, #tpu.memory_space<hbm>> -> memref<32x1024xf32, #tpu.memory_space<hbm>>
    %dma_wait3A_221 = tpu.memref_slice %arg7[%dma_wait3A_214] : memref<2x!tpu.dma_semaphore, #tpu.memory_space<semaphore_mem>> -> memref<1x!tpu.dma_semaphore, #tpu.memory_space<semaphore_mem>>
    %dma_wait3A_222 = tpu.memref_squeeze %dma_wait3A_221 : memref<1x!tpu.dma_semaphore, #tpu.memory_space<semaphore_mem>> -> memref<!tpu.dma_semaphore, #tpu.memory_space<semaphore_mem>>
    %dma_wait3A_223 = arith.constant 0 : i32
    %dma_wait3A_224 = tpu.memref_slice %arg3[%add3A_212, %dma_wait3A_223] : memref<8192x1024xf32, #tpu.memory_space<hbm>> -> memref<32x1024xf32, #tpu.memory_space<hbm>>
    %dma_wait3A_225 = arith.constant 0 : i32
    %dma_wait3A_226 = arith.constant 0 : i32
    %dma_wait3A_227 = tpu.memref_slice %arg4[%dma_wait3A_213, %dma_wait3A_225, %dma_wait3A_226] : memref<2x32x1024xf32, #tpu.memory_space<vmem>> -> memref<1x32x1024xf32, #tpu.memory_space<vmem>>
    %dma_wait3A_228 = tpu.memref_squeeze %dma_wait3A_227 : memref<1x32x1024xf32, #tpu.memory_space<vmem>> -> memref<32x1024xf32, #tpu.memory_space<vmem>>
    tpu.wait_dma2 semaphore(%dma_wait3A_222 : memref<!tpu.dma_semaphore, #tpu.memory_space<semaphore_mem>>) src(%dma_wait3A_228 : memref<32x1024xf32, #tpu.memory_space<vmem>>) dst(%dma_wait3A_224 : memref<32x1024xf32, #tpu.memory_space<hbm>>)
    %add3A_229 = arith.constant 192 : i32
    %add3A_230 = arith.addi %mul3A_2, %add3A_229 : i32
    %dma_wait3A_231 = arith.constant 0 : i32
    %dma_wait3A_232 = arith.constant 0 : i32
    %dma_wait3A_233 = tpu.memref_slice %arg9[%dma_wait3A_232] : memref<2x!tpu.dma_semaphore, #tpu.memory_space<semaphore_mem>> -> memref<1x!tpu.dma_semaphore, #tpu.memory_space<semaphore_mem>>
    %dma_wait3A_234 = tpu.memref_squeeze %dma_wait3A_233 : memref<1x!tpu.dma_semaphore, #tpu.memory_space<semaphore_mem>> -> memref<!tpu.dma_semaphore, #tpu.memory_space<semaphore_mem>>
    %dma_wait3A_235 = arith.constant 0 : i32
    %dma_wait3A_236 = tpu.memref_slice %arg3[%add3A_230, %dma_wait3A_235] : memref<8192x1024xf32, #tpu.memory_space<hbm>> -> memref<32x1024xf32, #tpu.memory_space<hbm>>
    %dma_wait3A_237 = arith.constant 0 : i32
    %dma_wait3A_238 = arith.constant 0 : i32
    %dma_wait3A_239 = arith.constant 0 : i32
    %dma_wait3A_240 = tpu.memref_slice %arg5[%arg1, %dma_wait3A_237, %dma_wait3A_238, %dma_wait3A_239] : memref<16x2x32x1024xf32, #tpu.memory_space<vmem_shared>> -> memref<1x2x32x1024xf32, #tpu.memory_space<vmem_shared>>
    %dma_wait3A_241 = tpu.memref_squeeze %dma_wait3A_240 : memref<1x2x32x1024xf32, #tpu.memory_space<vmem_shared>> -> memref<2x32x1024xf32, #tpu.memory_space<vmem_shared>>
    %dma_wait3A_242 = arith.constant 0 : i32
    %dma_wait3A_243 = arith.constant 0 : i32
    %dma_wait3A_244 = tpu.memref_slice %dma_wait3A_241[%dma_wait3A_231, %dma_wait3A_242, %dma_wait3A_243] : memref<2x32x1024xf32, #tpu.memory_space<vmem_shared>> -> memref<1x32x1024xf32, #tpu.memory_space<vmem_shared>>
    %dma_wait3A_245 = tpu.memref_squeeze %dma_wait3A_244 : memref<1x32x1024xf32, #tpu.memory_space<vmem_shared>> -> memref<32x1024xf32, #tpu.memory_space<vmem_shared>>
    tpu.wait_dma2 semaphore(%dma_wait3A_234 : memref<!tpu.dma_semaphore, #tpu.memory_space<semaphore_mem>>) src(%dma_wait3A_245 : memref<32x1024xf32, #tpu.memory_space<vmem_shared>>) dst(%dma_wait3A_236 : memref<32x1024xf32, #tpu.memory_space<hbm>>)
    %add3A_246 = arith.constant 64 : i32
    %add3A_247 = arith.addi %mul3A_2, %add3A_246 : i32
    %dma_start3A_248 = arith.constant 0 : i32
    %dma_start3A_249 = arith.constant 0 : i32
    %dma_start3A_250 = arith.constant 0 : i32
    %dma_start3A_251 = arith.constant 0 : i32
    %dma_start3A_252 = tpu.memref_slice %arg4[%dma_start3A_248, %dma_start3A_250, %dma_start3A_251] : memref<2x32x1024xf32, #tpu.memory_space<vmem>> -> memref<1x32x1024xf32, #tpu.memory_space<vmem>>
    %dma_start3A_253 = tpu.memref_squeeze %dma_start3A_252 : memref<1x32x1024xf32, #tpu.memory_space<vmem>> -> memref<32x1024xf32, #tpu.memory_space<vmem>>
    %dma_start3A_254 = arith.constant 0 : i32
    %dma_start3A_255 = tpu.memref_slice %arg2[%add3A_247, %dma_start3A_254] : memref<8193x1024xf32, #tpu.memory_space<hbm>> -> memref<32x1024xf32, #tpu.memory_space<hbm>>
    %dma_start3A_256 = tpu.memref_slice %arg6[%dma_start3A_249] : memref<2x!tpu.dma_semaphore, #tpu.memory_space<semaphore_mem>> -> memref<1x!tpu.dma_semaphore, #tpu.memory_space<semaphore_mem>>
    %dma_start3A_257 = tpu.memref_squeeze %dma_start3A_256 : memref<1x!tpu.dma_semaphore, #tpu.memory_space<semaphore_mem>> -> memref<!tpu.dma_semaphore, #tpu.memory_space<semaphore_mem>>
    %dma_start3A_258 = arith.constant 0 : i32
    %dma_start3A_259 = arith.constant 0 : i32
    %dma_start3A_260 = tpu.memref_slice %arg4[%dma_start3A_248, %dma_start3A_258, %dma_start3A_259] : memref<2x32x1024xf32, #tpu.memory_space<vmem>> -> memref<1x32x1024xf32, #tpu.memory_space<vmem>>
    %dma_start3A_261 = tpu.memref_squeeze %dma_start3A_260 : memref<1x32x1024xf32, #tpu.memory_space<vmem>> -> memref<32x1024xf32, #tpu.memory_space<vmem>>
    %dma_start3A_262 = arith.constant 0 : i32
    %dma_start3A_263 = tpu.memref_slice %arg2[%add3A_247, %dma_start3A_262] : memref<8193x1024xf32, #tpu.memory_space<hbm>> -> memref<32x1024xf32, #tpu.memory_space<hbm>>
    tpu.enqueue_dma source(%dma_start3A_263 : memref<32x1024xf32, #tpu.memory_space<hbm>>) target(%dma_start3A_261 : memref<32x1024xf32, #tpu.memory_space<vmem>>) target_semaphore(%dma_start3A_257 : memref<!tpu.dma_semaphore, #tpu.memory_space<semaphore_mem>>)
    %add3A_264 = arith.constant 224 : i32
    %add3A_265 = arith.addi %mul3A_2, %add3A_264 : i32
    %dma_wait3A_266 = arith.constant 1 : i32
    %dma_wait3A_267 = arith.constant 1 : i32
    %dma_wait3A_268 = tpu.memref_slice %arg9[%dma_wait3A_267] : memref<2x!tpu.dma_semaphore, #tpu.memory_space<semaphore_mem>> -> memref<1x!tpu.dma_semaphore, #tpu.memory_space<semaphore_mem>>
    %dma_wait3A_269 = tpu.memref_squeeze %dma_wait3A_268 : memref<1x!tpu.dma_semaphore, #tpu.memory_space<semaphore_mem>> -> memref<!tpu.dma_semaphore, #tpu.memory_space<semaphore_mem>>
    %dma_wait3A_270 = arith.constant 0 : i32
    %dma_wait3A_271 = tpu.memref_slice %arg3[%add3A_265, %dma_wait3A_270] : memref<8192x1024xf32, #tpu.memory_space<hbm>> -> memref<32x1024xf32, #tpu.memory_space<hbm>>
    %dma_wait3A_272 = arith.constant 0 : i32
    %dma_wait3A_273 = arith.constant 0 : i32
    %dma_wait3A_274 = arith.constant 0 : i32
    %dma_wait3A_275 = tpu.memref_slice %arg5[%arg1, %dma_wait3A_272, %dma_wait3A_273, %dma_wait3A_274] : memref<16x2x32x1024xf32, #tpu.memory_space<vmem_shared>> -> memref<1x2x32x1024xf32, #tpu.memory_space<vmem_shared>>
    %dma_wait3A_276 = tpu.memref_squeeze %dma_wait3A_275 : memref<1x2x32x1024xf32, #tpu.memory_space<vmem_shared>> -> memref<2x32x1024xf32, #tpu.memory_space<vmem_shared>>
    %dma_wait3A_277 = arith.constant 0 : i32
    %dma_wait3A_278 = arith.constant 0 : i32
    %dma_wait3A_279 = tpu.memref_slice %dma_wait3A_276[%dma_wait3A_266, %dma_wait3A_277, %dma_wait3A_278] : memref<2x32x1024xf32, #tpu.memory_space<vmem_shared>> -> memref<1x32x1024xf32, #tpu.memory_space<vmem_shared>>
    %dma_wait3A_280 = tpu.memref_squeeze %dma_wait3A_279 : memref<1x32x1024xf32, #tpu.memory_space<vmem_shared>> -> memref<32x1024xf32, #tpu.memory_space<vmem_shared>>
    tpu.wait_dma2 semaphore(%dma_wait3A_269 : memref<!tpu.dma_semaphore, #tpu.memory_space<semaphore_mem>>) src(%dma_wait3A_280 : memref<32x1024xf32, #tpu.memory_space<vmem_shared>>) dst(%dma_wait3A_271 : memref<32x1024xf32, #tpu.memory_space<hbm>>)
    %add3A_281 = arith.constant 64 : i32
    %add3A_282 = arith.addi %mul3A_2, %add3A_281 : i32
    %dma_wait3A_283 = arith.constant 0 : i32
    %dma_wait3A_284 = arith.constant 0 : i32
    %dma_wait3A_285 = arith.constant 0 : i32
    %dma_wait3A_286 = arith.constant 0 : i32
    %dma_wait3A_287 = tpu.memref_slice %arg4[%dma_wait3A_283, %dma_wait3A_285, %dma_wait3A_286] : memref<2x32x1024xf32, #tpu.memory_space<vmem>> -> memref<1x32x1024xf32, #tpu.memory_space<vmem>>
    %dma_wait3A_288 = tpu.memref_squeeze %dma_wait3A_287 : memref<1x32x1024xf32, #tpu.memory_space<vmem>> -> memref<32x1024xf32, #tpu.memory_space<vmem>>
    %dma_wait3A_289 = arith.constant 0 : i32
    %dma_wait3A_290 = tpu.memref_slice %arg2[%add3A_282, %dma_wait3A_289] : memref<8193x1024xf32, #tpu.memory_space<hbm>> -> memref<32x1024xf32, #tpu.memory_space<hbm>>
    %dma_wait3A_291 = tpu.memref_slice %arg6[%dma_wait3A_284] : memref<2x!tpu.dma_semaphore, #tpu.memory_space<semaphore_mem>> -> memref<1x!tpu.dma_semaphore, #tpu.memory_space<semaphore_mem>>
    %dma_wait3A_292 = tpu.memref_squeeze %dma_wait3A_291 : memref<1x!tpu.dma_semaphore, #tpu.memory_space<semaphore_mem>> -> memref<!tpu.dma_semaphore, #tpu.memory_space<semaphore_mem>>
    %dma_wait3A_293 = arith.constant 0 : i32
    %dma_wait3A_294 = arith.constant 0 : i32
    %dma_wait3A_295 = tpu.memref_slice %arg4[%dma_wait3A_283, %dma_wait3A_293, %dma_wait3A_294] : memref<2x32x1024xf32, #tpu.memory_space<vmem>> -> memref<1x32x1024xf32, #tpu.memory_space<vmem>>
    %dma_wait3A_296 = tpu.memref_squeeze %dma_wait3A_295 : memref<1x32x1024xf32, #tpu.memory_space<vmem>> -> memref<32x1024xf32, #tpu.memory_space<vmem>>
    %dma_wait3A_297 = arith.constant 0 : i32
    %dma_wait3A_298 = tpu.memref_slice %arg2[%add3A_282, %dma_wait3A_297] : memref<8193x1024xf32, #tpu.memory_space<hbm>> -> memref<32x1024xf32, #tpu.memory_space<hbm>>
    tpu.wait_dma2 semaphore(%dma_wait3A_292 : memref<!tpu.dma_semaphore, #tpu.memory_space<semaphore_mem>>) src(%dma_wait3A_298 : memref<32x1024xf32, #tpu.memory_space<hbm>>) dst(%dma_wait3A_296 : memref<32x1024xf32, #tpu.memory_space<vmem>>)
    %add3A_299 = arith.constant 64 : i32
    %add3A_300 = arith.addi %mul3A_2, %add3A_299 : i32
    %dma_start3A_301 = arith.constant 0 : i32
    %dma_start3A_302 = arith.constant 0 : i32
    %dma_start3A_303 = arith.constant 0 : i32
    %dma_start3A_304 = arith.constant 0 : i32
    %dma_start3A_305 = tpu.memref_slice %arg4[%dma_start3A_301, %dma_start3A_303, %dma_start3A_304] : memref<2x32x1024xf32, #tpu.memory_space<vmem>> -> memref<1x32x1024xf32, #tpu.memory_space<vmem>>
    %dma_start3A_306 = tpu.memref_squeeze %dma_start3A_305 : memref<1x32x1024xf32, #tpu.memory_space<vmem>> -> memref<32x1024xf32, #tpu.memory_space<vmem>>
    %dma_start3A_307 = arith.constant 0 : i32
    %dma_start3A_308 = tpu.memref_slice %arg3[%add3A_300, %dma_start3A_307] : memref<8192x1024xf32, #tpu.memory_space<hbm>> -> memref<32x1024xf32, #tpu.memory_space<hbm>>
    %dma_start3A_309 = tpu.memref_slice %arg7[%dma_start3A_302] : memref<2x!tpu.dma_semaphore, #tpu.memory_space<semaphore_mem>> -> memref<1x!tpu.dma_semaphore, #tpu.memory_space<semaphore_mem>>
    %dma_start3A_310 = tpu.memref_squeeze %dma_start3A_309 : memref<1x!tpu.dma_semaphore, #tpu.memory_space<semaphore_mem>> -> memref<!tpu.dma_semaphore, #tpu.memory_space<semaphore_mem>>
    %dma_start3A_311 = arith.constant 0 : i32
    %dma_start3A_312 = tpu.memref_slice %arg3[%add3A_300, %dma_start3A_311] : memref<8192x1024xf32, #tpu.memory_space<hbm>> -> memref<32x1024xf32, #tpu.memory_space<hbm>>
    %dma_start3A_313 = arith.constant 0 : i32
    %dma_start3A_314 = arith.constant 0 : i32
    %dma_start3A_315 = tpu.memref_slice %arg4[%dma_start3A_301, %dma_start3A_313, %dma_start3A_314] : memref<2x32x1024xf32, #tpu.memory_space<vmem>> -> memref<1x32x1024xf32, #tpu.memory_space<vmem>>
    %dma_start3A_316 = tpu.memref_squeeze %dma_start3A_315 : memref<1x32x1024xf32, #tpu.memory_space<vmem>> -> memref<32x1024xf32, #tpu.memory_space<vmem>>
    tpu.enqueue_dma source(%dma_start3A_316 : memref<32x1024xf32, #tpu.memory_space<vmem>>) target(%dma_start3A_312 : memref<32x1024xf32, #tpu.memory_space<hbm>>) target_semaphore(%dma_start3A_310 : memref<!tpu.dma_semaphore, #tpu.memory_space<semaphore_mem>>)
    %add3A_317 = arith.constant 32 : i32
    %add3A_318 = arith.addi %mul3A_2, %add3A_317 : i32
    %dma_wait3A_319 = arith.constant 1 : i32
    %dma_wait3A_320 = arith.constant 1 : i32
    %dma_wait3A_321 = arith.constant 0 : i32
    %dma_wait3A_322 = arith.constant 0 : i32
    %dma_wait3A_323 = tpu.memref_slice %arg4[%dma_wait3A_319, %dma_wait3A_321, %dma_wait3A_322] : memref<2x32x1024xf32, #tpu.memory_space<vmem>> -> memref<1x32x1024xf32, #tpu.memory_space<vmem>>
    %dma_wait3A_324 = tpu.memref_squeeze %dma_wait3A_323 : memref<1x32x1024xf32, #tpu.memory_space<vmem>> -> memref<32x1024xf32, #tpu.memory_space<vmem>>
    %dma_wait3A_325 = arith.constant 0 : i32
    %dma_wait3A_326 = tpu.memref_slice %arg3[%add3A_318, %dma_wait3A_325] : memref<8192x1024xf32, #tpu.memory_space<hbm>> -> memref<32x1024xf32, #tpu.memory_space<hbm>>
    %dma_wait3A_327 = tpu.memref_slice %arg7[%dma_wait3A_320] : memref<2x!tpu.dma_semaphore, #tpu.memory_space<semaphore_mem>> -> memref<1x!tpu.dma_semaphore, #tpu.memory_space<semaphore_mem>>
    %dma_wait3A_328 = tpu.memref_squeeze %dma_wait3A_327 : memref<1x!tpu.dma_semaphore, #tpu.memory_space<semaphore_mem>> -> memref<!tpu.dma_semaphore, #tpu.memory_space<semaphore_mem>>
    %dma_wait3A_329 = arith.constant 0 : i32
    %dma_wait3A_330 = tpu.memref_slice %arg3[%add3A_318, %dma_wait3A_329] : memref<8192x1024xf32, #tpu.memory_space<hbm>> -> memref<32x1024xf32, #tpu.memory_space<hbm>>
    %dma_wait3A_331 = arith.constant 0 : i32
    %dma_wait3A_332 = arith.constant 0 : i32
    %dma_wait3A_333 = tpu.memref_slice %arg4[%dma_wait3A_319, %dma_wait3A_331, %dma_wait3A_332] : memref<2x32x1024xf32, #tpu.memory_space<vmem>> -> memref<1x32x1024xf32, #tpu.memory_space<vmem>>
    %dma_wait3A_334 = tpu.memref_squeeze %dma_wait3A_333 : memref<1x32x1024xf32, #tpu.memory_space<vmem>> -> memref<32x1024xf32, #tpu.memory_space<vmem>>
    tpu.wait_dma2 semaphore(%dma_wait3A_328 : memref<!tpu.dma_semaphore, #tpu.memory_space<semaphore_mem>>) src(%dma_wait3A_334 : memref<32x1024xf32, #tpu.memory_space<vmem>>) dst(%dma_wait3A_330 : memref<32x1024xf32, #tpu.memory_space<hbm>>)
    %add3A_335 = arith.constant 96 : i32
    %add3A_336 = arith.addi %mul3A_2, %add3A_335 : i32
    %dma_start3A_337 = arith.constant 1 : i32
    %dma_start3A_338 = arith.constant 1 : i32
    %dma_start3A_339 = arith.constant 0 : i32
    %dma_start3A_340 = arith.constant 0 : i32
    %dma_start3A_341 = tpu.memref_slice %arg4[%dma_start3A_337, %dma_start3A_339, %dma_start3A_340] : memref<2x32x1024xf32, #tpu.memory_space<vmem>> -> memref<1x32x1024xf32, #tpu.memory_space<vmem>>
    %dma_start3A_342 = tpu.memref_squeeze %dma_start3A_341 : memref<1x32x1024xf32, #tpu.memory_space<vmem>> -> memref<32x1024xf32, #tpu.memory_space<vmem>>
    %dma_start3A_343 = arith.constant 0 : i32
    %dma_start3A_344 = tpu.memref_slice %arg2[%add3A_336, %dma_start3A_343] : memref<8193x1024xf32, #tpu.memory_space<hbm>> -> memref<32x1024xf32, #tpu.memory_space<hbm>>
    %dma_start3A_345 = tpu.memref_slice %arg6[%dma_start3A_338] : memref<2x!tpu.dma_semaphore, #tpu.memory_space<semaphore_mem>> -> memref<1x!tpu.dma_semaphore, #tpu.memory_space<semaphore_mem>>
    %dma_start3A_346 = tpu.memref_squeeze %dma_start3A_345 : memref<1x!tpu.dma_semaphore, #tpu.memory_space<semaphore_mem>> -> memref<!tpu.dma_semaphore, #tpu.memory_space<semaphore_mem>>
    %dma_start3A_347 = arith.constant 0 : i32
    %dma_start3A_348 = arith.constant 0 : i32
    %dma_start3A_349 = tpu.memref_slice %arg4[%dma_start3A_337, %dma_start3A_347, %dma_start3A_348] : memref<2x32x1024xf32, #tpu.memory_space<vmem>> -> memref<1x32x1024xf32, #tpu.memory_space<vmem>>
    %dma_start3A_350 = tpu.memref_squeeze %dma_start3A_349 : memref<1x32x1024xf32, #tpu.memory_space<vmem>> -> memref<32x1024xf32, #tpu.memory_space<vmem>>
    %dma_start3A_351 = arith.constant 0 : i32
    %dma_start3A_352 = tpu.memref_slice %arg2[%add3A_336, %dma_start3A_351] : memref<8193x1024xf32, #tpu.memory_space<hbm>> -> memref<32x1024xf32, #tpu.memory_space<hbm>>
    tpu.enqueue_dma source(%dma_start3A_352 : memref<32x1024xf32, #tpu.memory_space<hbm>>) target(%dma_start3A_350 : memref<32x1024xf32, #tpu.memory_space<vmem>>) target_semaphore(%dma_start3A_346 : memref<!tpu.dma_semaphore, #tpu.memory_space<semaphore_mem>>)
    %add3A_353 = arith.constant 96 : i32
    %add3A_354 = arith.addi %mul3A_2, %add3A_353 : i32
    %dma_wait3A_355 = arith.constant 1 : i32
    %dma_wait3A_356 = arith.constant 1 : i32
    %dma_wait3A_357 = arith.constant 0 : i32
    %dma_wait3A_358 = arith.constant 0 : i32
    %dma_wait3A_359 = tpu.memref_slice %arg4[%dma_wait3A_355, %dma_wait3A_357, %dma_wait3A_358] : memref<2x32x1024xf32, #tpu.memory_space<vmem>> -> memref<1x32x1024xf32, #tpu.memory_space<vmem>>
    %dma_wait3A_360 = tpu.memref_squeeze %dma_wait3A_359 : memref<1x32x1024xf32, #tpu.memory_space<vmem>> -> memref<32x1024xf32, #tpu.memory_space<vmem>>
    %dma_wait3A_361 = arith.constant 0 : i32
    %dma_wait3A_362 = tpu.memref_slice %arg2[%add3A_354, %dma_wait3A_361] : memref<8193x1024xf32, #tpu.memory_space<hbm>> -> memref<32x1024xf32, #tpu.memory_space<hbm>>
    %dma_wait3A_363 = tpu.memref_slice %arg6[%dma_wait3A_356] : memref<2x!tpu.dma_semaphore, #tpu.memory_space<semaphore_mem>> -> memref<1x!tpu.dma_semaphore, #tpu.memory_space<semaphore_mem>>
    %dma_wait3A_364 = tpu.memref_squeeze %dma_wait3A_363 : memref<1x!tpu.dma_semaphore, #tpu.memory_space<semaphore_mem>> -> memref<!tpu.dma_semaphore, #tpu.memory_space<semaphore_mem>>
    %dma_wait3A_365 = arith.constant 0 : i32
    %dma_wait3A_366 = arith.constant 0 : i32
    %dma_wait3A_367 = tpu.memref_slice %arg4[%dma_wait3A_355, %dma_wait3A_365, %dma_wait3A_366] : memref<2x32x1024xf32, #tpu.memory_space<vmem>> -> memref<1x32x1024xf32, #tpu.memory_space<vmem>>
    %dma_wait3A_368 = tpu.memref_squeeze %dma_wait3A_367 : memref<1x32x1024xf32, #tpu.memory_space<vmem>> -> memref<32x1024xf32, #tpu.memory_space<vmem>>
    %dma_wait3A_369 = arith.constant 0 : i32
    %dma_wait3A_370 = tpu.memref_slice %arg2[%add3A_354, %dma_wait3A_369] : memref<8193x1024xf32, #tpu.memory_space<hbm>> -> memref<32x1024xf32, #tpu.memory_space<hbm>>
    tpu.wait_dma2 semaphore(%dma_wait3A_364 : memref<!tpu.dma_semaphore, #tpu.memory_space<semaphore_mem>>) src(%dma_wait3A_370 : memref<32x1024xf32, #tpu.memory_space<hbm>>) dst(%dma_wait3A_368 : memref<32x1024xf32, #tpu.memory_space<vmem>>)
    %add3A_371 = arith.constant 96 : i32
    %add3A_372 = arith.addi %mul3A_2, %add3A_371 : i32
    %dma_start3A_373 = arith.constant 1 : i32
    %dma_start3A_374 = arith.constant 1 : i32
    %dma_start3A_375 = arith.constant 0 : i32
    %dma_start3A_376 = arith.constant 0 : i32
    %dma_start3A_377 = tpu.memref_slice %arg4[%dma_start3A_373, %dma_start3A_375, %dma_start3A_376] : memref<2x32x1024xf32, #tpu.memory_space<vmem>> -> memref<1x32x1024xf32, #tpu.memory_space<vmem>>
    %dma_start3A_378 = tpu.memref_squeeze %dma_start3A_377 : memref<1x32x1024xf32, #tpu.memory_space<vmem>> -> memref<32x1024xf32, #tpu.memory_space<vmem>>
    %dma_start3A_379 = arith.constant 0 : i32
    %dma_start3A_380 = tpu.memref_slice %arg3[%add3A_372, %dma_start3A_379] : memref<8192x1024xf32, #tpu.memory_space<hbm>> -> memref<32x1024xf32, #tpu.memory_space<hbm>>
    %dma_start3A_381 = tpu.memref_slice %arg7[%dma_start3A_374] : memref<2x!tpu.dma_semaphore, #tpu.memory_space<semaphore_mem>> -> memref<1x!tpu.dma_semaphore, #tpu.memory_space<semaphore_mem>>
    %dma_start3A_382 = tpu.memref_squeeze %dma_start3A_381 : memref<1x!tpu.dma_semaphore, #tpu.memory_space<semaphore_mem>> -> memref<!tpu.dma_semaphore, #tpu.memory_space<semaphore_mem>>
    %dma_start3A_383 = arith.constant 0 : i32
    %dma_start3A_384 = tpu.memref_slice %arg3[%add3A_372, %dma_start3A_383] : memref<8192x1024xf32, #tpu.memory_space<hbm>> -> memref<32x1024xf32, #tpu.memory_space<hbm>>
    %dma_start3A_385 = arith.constant 0 : i32
    %dma_start3A_386 = arith.constant 0 : i32
    %dma_start3A_387 = tpu.memref_slice %arg4[%dma_start3A_373, %dma_start3A_385, %dma_start3A_386] : memref<2x32x1024xf32, #tpu.memory_space<vmem>> -> memref<1x32x1024xf32, #tpu.memory_space<vmem>>
    %dma_start3A_388 = tpu.memref_squeeze %dma_start3A_387 : memref<1x32x1024xf32, #tpu.memory_space<vmem>> -> memref<32x1024xf32, #tpu.memory_space<vmem>>
    tpu.enqueue_dma source(%dma_start3A_388 : memref<32x1024xf32, #tpu.memory_space<vmem>>) target(%dma_start3A_384 : memref<32x1024xf32, #tpu.memory_space<hbm>>) target_semaphore(%dma_start3A_382 : memref<!tpu.dma_semaphore, #tpu.memory_space<semaphore_mem>>)
    %add3A_389 = arith.constant 64 : i32
    %add3A_390 = arith.addi %mul3A_2, %add3A_389 : i32
    %dma_wait3A_391 = arith.constant 0 : i32
    %dma_wait3A_392 = arith.constant 0 : i32
    %dma_wait3A_393 = arith.constant 0 : i32
    %dma_wait3A_394 = arith.constant 0 : i32
    %dma_wait3A_395 = tpu.memref_slice %arg4[%dma_wait3A_391, %dma_wait3A_393, %dma_wait3A_394] : memref<2x32x1024xf32, #tpu.memory_space<vmem>> -> memref<1x32x1024xf32, #tpu.memory_space<vmem>>
    %dma_wait3A_396 = tpu.memref_squeeze %dma_wait3A_395 : memref<1x32x1024xf32, #tpu.memory_space<vmem>> -> memref<32x1024xf32, #tpu.memory_space<vmem>>
    %dma_wait3A_397 = arith.constant 0 : i32
    %dma_wait3A_398 = tpu.memref_slice %arg3[%add3A_390, %dma_wait3A_397] : memref<8192x1024xf32, #tpu.memory_space<hbm>> -> memref<32x1024xf32, #tpu.memory_space<hbm>>
    %dma_wait3A_399 = tpu.memref_slice %arg7[%dma_wait3A_392] : memref<2x!tpu.dma_semaphore, #tpu.memory_space<semaphore_mem>> -> memref<1x!tpu.dma_semaphore, #tpu.memory_space<semaphore_mem>>
    %dma_wait3A_400 = tpu.memref_squeeze %dma_wait3A_399 : memref<1x!tpu.dma_semaphore, #tpu.memory_space<semaphore_mem>> -> memref<!tpu.dma_semaphore, #tpu.memory_space<semaphore_mem>>
    %dma_wait3A_401 = arith.constant 0 : i32
    %dma_wait3A_402 = tpu.memref_slice %arg3[%add3A_390, %dma_wait3A_401] : memref<8192x1024xf32, #tpu.memory_space<hbm>> -> memref<32x1024xf32, #tpu.memory_space<hbm>>
    %dma_wait3A_403 = arith.constant 0 : i32
    %dma_wait3A_404 = arith.constant 0 : i32
    %dma_wait3A_405 = tpu.memref_slice %arg4[%dma_wait3A_391, %dma_wait3A_403, %dma_wait3A_404] : memref<2x32x1024xf32, #tpu.memory_space<vmem>> -> memref<1x32x1024xf32, #tpu.memory_space<vmem>>
    %dma_wait3A_406 = tpu.memref_squeeze %dma_wait3A_405 : memref<1x32x1024xf32, #tpu.memory_space<vmem>> -> memref<32x1024xf32, #tpu.memory_space<vmem>>
    tpu.wait_dma2 semaphore(%dma_wait3A_400 : memref<!tpu.dma_semaphore, #tpu.memory_space<semaphore_mem>>) src(%dma_wait3A_406 : memref<32x1024xf32, #tpu.memory_space<vmem>>) dst(%dma_wait3A_402 : memref<32x1024xf32, #tpu.memory_space<hbm>>)
    %add3A_407 = arith.constant 128 : i32
    %add3A_408 = arith.addi %mul3A_2, %add3A_407 : i32
    %dma_start3A_409 = arith.constant 0 : i32
    %dma_start3A_410 = arith.constant 0 : i32
    %dma_start3A_411 = arith.constant 0 : i32
    %dma_start3A_412 = arith.constant 0 : i32
    %dma_start3A_413 = tpu.memref_slice %arg4[%dma_start3A_409, %dma_start3A_411, %dma_start3A_412] : memref<2x32x1024xf32, #tpu.memory_space<vmem>> -> memref<1x32x1024xf32, #tpu.memory_space<vmem>>
    %dma_start3A_414 = tpu.memref_squeeze %dma_start3A_413 : memref<1x32x1024xf32, #tpu.memory_space<vmem>> -> memref<32x1024xf32, #tpu.memory_space<vmem>>
    %dma_start3A_415 = arith.constant 0 : i32
    %dma_start3A_416 = tpu.memref_slice %arg2[%add3A_408, %dma_start3A_415] : memref<8193x1024xf32, #tpu.memory_space<hbm>> -> memref<32x1024xf32, #tpu.memory_space<hbm>>
    %dma_start3A_417 = tpu.memref_slice %arg6[%dma_start3A_410] : memref<2x!tpu.dma_semaphore, #tpu.memory_space<semaphore_mem>> -> memref<1x!tpu.dma_semaphore, #tpu.memory_space<semaphore_mem>>
    %dma_start3A_418 = tpu.memref_squeeze %dma_start3A_417 : memref<1x!tpu.dma_semaphore, #tpu.memory_space<semaphore_mem>> -> memref<!tpu.dma_semaphore, #tpu.memory_space<semaphore_mem>>
    %dma_start3A_419 = arith.constant 0 : i32
    %dma_start3A_420 = arith.constant 0 : i32
    %dma_start3A_421 = tpu.memref_slice %arg4[%dma_start3A_409, %dma_start3A_419, %dma_start3A_420] : memref<2x32x1024xf32, #tpu.memory_space<vmem>> -> memref<1x32x1024xf32, #tpu.memory_space<vmem>>
    %dma_start3A_422 = tpu.memref_squeeze %dma_start3A_421 : memref<1x32x1024xf32, #tpu.memory_space<vmem>> -> memref<32x1024xf32, #tpu.memory_space<vmem>>
    %dma_start3A_423 = arith.constant 0 : i32
    %dma_start3A_424 = tpu.memref_slice %arg2[%add3A_408, %dma_start3A_423] : memref<8193x1024xf32, #tpu.memory_space<hbm>> -> memref<32x1024xf32, #tpu.memory_space<hbm>>
    tpu.enqueue_dma source(%dma_start3A_424 : memref<32x1024xf32, #tpu.memory_space<hbm>>) target(%dma_start3A_422 : memref<32x1024xf32, #tpu.memory_space<vmem>>) target_semaphore(%dma_start3A_418 : memref<!tpu.dma_semaphore, #tpu.memory_space<semaphore_mem>>)
    %add3A_425 = arith.constant 128 : i32
    %add3A_426 = arith.addi %mul3A_2, %add3A_425 : i32
    %dma_wait3A_427 = arith.constant 0 : i32
    %dma_wait3A_428 = arith.constant 0 : i32
    %dma_wait3A_429 = arith.constant 0 : i32
    %dma_wait3A_430 = arith.constant 0 : i32
    %dma_wait3A_431 = tpu.memref_slice %arg4[%dma_wait3A_427, %dma_wait3A_429, %dma_wait3A_430] : memref<2x32x1024xf32, #tpu.memory_space<vmem>> -> memref<1x32x1024xf32, #tpu.memory_space<vmem>>
    %dma_wait3A_432 = tpu.memref_squeeze %dma_wait3A_431 : memref<1x32x1024xf32, #tpu.memory_space<vmem>> -> memref<32x1024xf32, #tpu.memory_space<vmem>>
    %dma_wait3A_433 = arith.constant 0 : i32
    %dma_wait3A_434 = tpu.memref_slice %arg2[%add3A_426, %dma_wait3A_433] : memref<8193x1024xf32, #tpu.memory_space<hbm>> -> memref<32x1024xf32, #tpu.memory_space<hbm>>
    %dma_wait3A_435 = tpu.memref_slice %arg6[%dma_wait3A_428] : memref<2x!tpu.dma_semaphore, #tpu.memory_space<semaphore_mem>> -> memref<1x!tpu.dma_semaphore, #tpu.memory_space<semaphore_mem>>
    %dma_wait3A_436 = tpu.memref_squeeze %dma_wait3A_435 : memref<1x!tpu.dma_semaphore, #tpu.memory_space<semaphore_mem>> -> memref<!tpu.dma_semaphore, #tpu.memory_space<semaphore_mem>>
    %dma_wait3A_437 = arith.constant 0 : i32
    %dma_wait3A_438 = arith.constant 0 : i32
    %dma_wait3A_439 = tpu.memref_slice %arg4[%dma_wait3A_427, %dma_wait3A_437, %dma_wait3A_438] : memref<2x32x1024xf32, #tpu.memory_space<vmem>> -> memref<1x32x1024xf32, #tpu.memory_space<vmem>>
    %dma_wait3A_440 = tpu.memref_squeeze %dma_wait3A_439 : memref<1x32x1024xf32, #tpu.memory_space<vmem>> -> memref<32x1024xf32, #tpu.memory_space<vmem>>
    %dma_wait3A_441 = arith.constant 0 : i32
    %dma_wait3A_442 = tpu.memref_slice %arg2[%add3A_426, %dma_wait3A_441] : memref<8193x1024xf32, #tpu.memory_space<hbm>> -> memref<32x1024xf32, #tpu.memory_space<hbm>>
    tpu.wait_dma2 semaphore(%dma_wait3A_436 : memref<!tpu.dma_semaphore, #tpu.memory_space<semaphore_mem>>) src(%dma_wait3A_442 : memref<32x1024xf32, #tpu.memory_space<hbm>>) dst(%dma_wait3A_440 : memref<32x1024xf32, #tpu.memory_space<vmem>>)
    %add3A_443 = arith.constant 128 : i32
    %add3A_444 = arith.addi %mul3A_2, %add3A_443 : i32
    %dma_start3A_445 = arith.constant 0 : i32
    %dma_start3A_446 = arith.constant 0 : i32
    %dma_start3A_447 = arith.constant 0 : i32
    %dma_start3A_448 = arith.constant 0 : i32
    %dma_start3A_449 = tpu.memref_slice %arg4[%dma_start3A_445, %dma_start3A_447, %dma_start3A_448] : memref<2x32x1024xf32, #tpu.memory_space<vmem>> -> memref<1x32x1024xf32, #tpu.memory_space<vmem>>
    %dma_start3A_450 = tpu.memref_squeeze %dma_start3A_449 : memref<1x32x1024xf32, #tpu.memory_space<vmem>> -> memref<32x1024xf32, #tpu.memory_space<vmem>>
    %dma_start3A_451 = arith.constant 0 : i32
    %dma_start3A_452 = tpu.memref_slice %arg3[%add3A_444, %dma_start3A_451] : memref<8192x1024xf32, #tpu.memory_space<hbm>> -> memref<32x1024xf32, #tpu.memory_space<hbm>>
    %dma_start3A_453 = tpu.memref_slice %arg7[%dma_start3A_446] : memref<2x!tpu.dma_semaphore, #tpu.memory_space<semaphore_mem>> -> memref<1x!tpu.dma_semaphore, #tpu.memory_space<semaphore_mem>>
    %dma_start3A_454 = tpu.memref_squeeze %dma_start3A_453 : memref<1x!tpu.dma_semaphore, #tpu.memory_space<semaphore_mem>> -> memref<!tpu.dma_semaphore, #tpu.memory_space<semaphore_mem>>
    %dma_start3A_455 = arith.constant 0 : i32
    %dma_start3A_456 = tpu.memref_slice %arg3[%add3A_444, %dma_start3A_455] : memref<8192x1024xf32, #tpu.memory_space<hbm>> -> memref<32x1024xf32, #tpu.memory_space<hbm>>
    %dma_start3A_457 = arith.constant 0 : i32
    %dma_start3A_458 = arith.constant 0 : i32
    %dma_start3A_459 = tpu.memref_slice %arg4[%dma_start3A_445, %dma_start3A_457, %dma_start3A_458] : memref<2x32x1024xf32, #tpu.memory_space<vmem>> -> memref<1x32x1024xf32, #tpu.memory_space<vmem>>
    %dma_start3A_460 = tpu.memref_squeeze %dma_start3A_459 : memref<1x32x1024xf32, #tpu.memory_space<vmem>> -> memref<32x1024xf32, #tpu.memory_space<vmem>>
    tpu.enqueue_dma source(%dma_start3A_460 : memref<32x1024xf32, #tpu.memory_space<vmem>>) target(%dma_start3A_456 : memref<32x1024xf32, #tpu.memory_space<hbm>>) target_semaphore(%dma_start3A_454 : memref<!tpu.dma_semaphore, #tpu.memory_space<semaphore_mem>>)
    %add3A_461 = arith.constant 96 : i32
    %add3A_462 = arith.addi %mul3A_2, %add3A_461 : i32
    %dma_wait3A_463 = arith.constant 1 : i32
    %dma_wait3A_464 = arith.constant 1 : i32
    %dma_wait3A_465 = arith.constant 0 : i32
    %dma_wait3A_466 = arith.constant 0 : i32
    %dma_wait3A_467 = tpu.memref_slice %arg4[%dma_wait3A_463, %dma_wait3A_465, %dma_wait3A_466] : memref<2x32x1024xf32, #tpu.memory_space<vmem>> -> memref<1x32x1024xf32, #tpu.memory_space<vmem>>
    %dma_wait3A_468 = tpu.memref_squeeze %dma_wait3A_467 : memref<1x32x1024xf32, #tpu.memory_space<vmem>> -> memref<32x1024xf32, #tpu.memory_space<vmem>>
    %dma_wait3A_469 = arith.constant 0 : i32
    %dma_wait3A_470 = tpu.memref_slice %arg3[%add3A_462, %dma_wait3A_469] : memref<8192x1024xf32, #tpu.memory_space<hbm>> -> memref<32x1024xf32, #tpu.memory_space<hbm>>
    %dma_wait3A_471 = tpu.memref_slice %arg7[%dma_wait3A_464] : memref<2x!tpu.dma_semaphore, #tpu.memory_space<semaphore_mem>> -> memref<1x!tpu.dma_semaphore, #tpu.memory_space<semaphore_mem>>
    %dma_wait3A_472 = tpu.memref_squeeze %dma_wait3A_471 : memref<1x!tpu.dma_semaphore, #tpu.memory_space<semaphore_mem>> -> memref<!tpu.dma_semaphore, #tpu.memory_space<semaphore_mem>>
    %dma_wait3A_473 = arith.constant 0 : i32
    %dma_wait3A_474 = tpu.memref_slice %arg3[%add3A_462, %dma_wait3A_473] : memref<8192x1024xf32, #tpu.memory_space<hbm>> -> memref<32x1024xf32, #tpu.memory_space<hbm>>
    %dma_wait3A_475 = arith.constant 0 : i32
    %dma_wait3A_476 = arith.constant 0 : i32
    %dma_wait3A_477 = tpu.memref_slice %arg4[%dma_wait3A_463, %dma_wait3A_475, %dma_wait3A_476] : memref<2x32x1024xf32, #tpu.memory_space<vmem>> -> memref<1x32x1024xf32, #tpu.memory_space<vmem>>
    %dma_wait3A_478 = tpu.memref_squeeze %dma_wait3A_477 : memref<1x32x1024xf32, #tpu.memory_space<vmem>> -> memref<32x1024xf32, #tpu.memory_space<vmem>>
    tpu.wait_dma2 semaphore(%dma_wait3A_472 : memref<!tpu.dma_semaphore, #tpu.memory_space<semaphore_mem>>) src(%dma_wait3A_478 : memref<32x1024xf32, #tpu.memory_space<vmem>>) dst(%dma_wait3A_474 : memref<32x1024xf32, #tpu.memory_space<hbm>>)
    %add3A_479 = arith.constant 160 : i32
    %add3A_480 = arith.addi %mul3A_2, %add3A_479 : i32
    %dma_start3A_481 = arith.constant 1 : i32
    %dma_start3A_482 = arith.constant 1 : i32
    %dma_start3A_483 = arith.constant 0 : i32
    %dma_start3A_484 = arith.constant 0 : i32
    %dma_start3A_485 = tpu.memref_slice %arg4[%dma_start3A_481, %dma_start3A_483, %dma_start3A_484] : memref<2x32x1024xf32, #tpu.memory_space<vmem>> -> memref<1x32x1024xf32, #tpu.memory_space<vmem>>
    %dma_start3A_486 = tpu.memref_squeeze %dma_start3A_485 : memref<1x32x1024xf32, #tpu.memory_space<vmem>> -> memref<32x1024xf32, #tpu.memory_space<vmem>>
    %dma_start3A_487 = arith.constant 0 : i32
    %dma_start3A_488 = tpu.memref_slice %arg2[%add3A_480, %dma_start3A_487] : memref<8193x1024xf32, #tpu.memory_space<hbm>> -> memref<32x1024xf32, #tpu.memory_space<hbm>>
    %dma_start3A_489 = tpu.memref_slice %arg6[%dma_start3A_482] : memref<2x!tpu.dma_semaphore, #tpu.memory_space<semaphore_mem>> -> memref<1x!tpu.dma_semaphore, #tpu.memory_space<semaphore_mem>>
    %dma_start3A_490 = tpu.memref_squeeze %dma_start3A_489 : memref<1x!tpu.dma_semaphore, #tpu.memory_space<semaphore_mem>> -> memref<!tpu.dma_semaphore, #tpu.memory_space<semaphore_mem>>
    %dma_start3A_491 = arith.constant 0 : i32
    %dma_start3A_492 = arith.constant 0 : i32
    %dma_start3A_493 = tpu.memref_slice %arg4[%dma_start3A_481, %dma_start3A_491, %dma_start3A_492] : memref<2x32x1024xf32, #tpu.memory_space<vmem>> -> memref<1x32x1024xf32, #tpu.memory_space<vmem>>
    %dma_start3A_494 = tpu.memref_squeeze %dma_start3A_493 : memref<1x32x1024xf32, #tpu.memory_space<vmem>> -> memref<32x1024xf32, #tpu.memory_space<vmem>>
    %dma_start3A_495 = arith.constant 0 : i32
    %dma_start3A_496 = tpu.memref_slice %arg2[%add3A_480, %dma_start3A_495] : memref<8193x1024xf32, #tpu.memory_space<hbm>> -> memref<32x1024xf32, #tpu.memory_space<hbm>>
    tpu.enqueue_dma source(%dma_start3A_496 : memref<32x1024xf32, #tpu.memory_space<hbm>>) target(%dma_start3A_494 : memref<32x1024xf32, #tpu.memory_space<vmem>>) target_semaphore(%dma_start3A_490 : memref<!tpu.dma_semaphore, #tpu.memory_space<semaphore_mem>>)
    %add3A_497 = arith.constant 160 : i32
    %add3A_498 = arith.addi %mul3A_2, %add3A_497 : i32
    %dma_wait3A_499 = arith.constant 1 : i32
    %dma_wait3A_500 = arith.constant 1 : i32
    %dma_wait3A_501 = arith.constant 0 : i32
    %dma_wait3A_502 = arith.constant 0 : i32
    %dma_wait3A_503 = tpu.memref_slice %arg4[%dma_wait3A_499, %dma_wait3A_501, %dma_wait3A_502] : memref<2x32x1024xf32, #tpu.memory_space<vmem>> -> memref<1x32x1024xf32, #tpu.memory_space<vmem>>
    %dma_wait3A_504 = tpu.memref_squeeze %dma_wait3A_503 : memref<1x32x1024xf32, #tpu.memory_space<vmem>> -> memref<32x1024xf32, #tpu.memory_space<vmem>>
    %dma_wait3A_505 = arith.constant 0 : i32
    %dma_wait3A_506 = tpu.memref_slice %arg2[%add3A_498, %dma_wait3A_505] : memref<8193x1024xf32, #tpu.memory_space<hbm>> -> memref<32x1024xf32, #tpu.memory_space<hbm>>
    %dma_wait3A_507 = tpu.memref_slice %arg6[%dma_wait3A_500] : memref<2x!tpu.dma_semaphore, #tpu.memory_space<semaphore_mem>> -> memref<1x!tpu.dma_semaphore, #tpu.memory_space<semaphore_mem>>
    %dma_wait3A_508 = tpu.memref_squeeze %dma_wait3A_507 : memref<1x!tpu.dma_semaphore, #tpu.memory_space<semaphore_mem>> -> memref<!tpu.dma_semaphore, #tpu.memory_space<semaphore_mem>>
    %dma_wait3A_509 = arith.constant 0 : i32
    %dma_wait3A_510 = arith.constant 0 : i32
    %dma_wait3A_511 = tpu.memref_slice %arg4[%dma_wait3A_499, %dma_wait3A_509, %dma_wait3A_510] : memref<2x32x1024xf32, #tpu.memory_space<vmem>> -> memref<1x32x1024xf32, #tpu.memory_space<vmem>>
    %dma_wait3A_512 = tpu.memref_squeeze %dma_wait3A_511 : memref<1x32x1024xf32, #tpu.memory_space<vmem>> -> memref<32x1024xf32, #tpu.memory_space<vmem>>
    %dma_wait3A_513 = arith.constant 0 : i32
    %dma_wait3A_514 = tpu.memref_slice %arg2[%add3A_498, %dma_wait3A_513] : memref<8193x1024xf32, #tpu.memory_space<hbm>> -> memref<32x1024xf32, #tpu.memory_space<hbm>>
    tpu.wait_dma2 semaphore(%dma_wait3A_508 : memref<!tpu.dma_semaphore, #tpu.memory_space<semaphore_mem>>) src(%dma_wait3A_514 : memref<32x1024xf32, #tpu.memory_space<hbm>>) dst(%dma_wait3A_512 : memref<32x1024xf32, #tpu.memory_space<vmem>>)
    %add3A_515 = arith.constant 160 : i32
    %add3A_516 = arith.addi %mul3A_2, %add3A_515 : i32
    %dma_start3A_517 = arith.constant 1 : i32
    %dma_start3A_518 = arith.constant 1 : i32
    %dma_start3A_519 = arith.constant 0 : i32
    %dma_start3A_520 = arith.constant 0 : i32
    %dma_start3A_521 = tpu.memref_slice %arg4[%dma_start3A_517, %dma_start3A_519, %dma_start3A_520] : memref<2x32x1024xf32, #tpu.memory_space<vmem>> -> memref<1x32x1024xf32, #tpu.memory_space<vmem>>
    %dma_start3A_522 = tpu.memref_squeeze %dma_start3A_521 : memref<1x32x1024xf32, #tpu.memory_space<vmem>> -> memref<32x1024xf32, #tpu.memory_space<vmem>>
    %dma_start3A_523 = arith.constant 0 : i32
    %dma_start3A_524 = tpu.memref_slice %arg3[%add3A_516, %dma_start3A_523] : memref<8192x1024xf32, #tpu.memory_space<hbm>> -> memref<32x1024xf32, #tpu.memory_space<hbm>>
    %dma_start3A_525 = tpu.memref_slice %arg7[%dma_start3A_518] : memref<2x!tpu.dma_semaphore, #tpu.memory_space<semaphore_mem>> -> memref<1x!tpu.dma_semaphore, #tpu.memory_space<semaphore_mem>>
    %dma_start3A_526 = tpu.memref_squeeze %dma_start3A_525 : memref<1x!tpu.dma_semaphore, #tpu.memory_space<semaphore_mem>> -> memref<!tpu.dma_semaphore, #tpu.memory_space<semaphore_mem>>
    %dma_start3A_527 = arith.constant 0 : i32
    %dma_start3A_528 = tpu.memref_slice %arg3[%add3A_516, %dma_start3A_527] : memref<8192x1024xf32, #tpu.memory_space<hbm>> -> memref<32x1024xf32, #tpu.memory_space<hbm>>
    %dma_start3A_529 = arith.constant 0 : i32
    %dma_start3A_530 = arith.constant 0 : i32
    %dma_start3A_531 = tpu.memref_slice %arg4[%dma_start3A_517, %dma_start3A_529, %dma_start3A_530] : memref<2x32x1024xf32, #tpu.memory_space<vmem>> -> memref<1x32x1024xf32, #tpu.memory_space<vmem>>
    %dma_start3A_532 = tpu.memref_squeeze %dma_start3A_531 : memref<1x32x1024xf32, #tpu.memory_space<vmem>> -> memref<32x1024xf32, #tpu.memory_space<vmem>>
    tpu.enqueue_dma source(%dma_start3A_532 : memref<32x1024xf32, #tpu.memory_space<vmem>>) target(%dma_start3A_528 : memref<32x1024xf32, #tpu.memory_space<hbm>>) target_semaphore(%dma_start3A_526 : memref<!tpu.dma_semaphore, #tpu.memory_space<semaphore_mem>>)
    %add3A_533 = arith.constant 128 : i32
    %add3A_534 = arith.addi %mul3A_2, %add3A_533 : i32
    %dma_wait3A_535 = arith.constant 0 : i32
    %dma_wait3A_536 = arith.constant 0 : i32
    %dma_wait3A_537 = arith.constant 0 : i32
    %dma_wait3A_538 = arith.constant 0 : i32
    %dma_wait3A_539 = tpu.memref_slice %arg4[%dma_wait3A_535, %dma_wait3A_537, %dma_wait3A_538] : memref<2x32x1024xf32, #tpu.memory_space<vmem>> -> memref<1x32x1024xf32, #tpu.memory_space<vmem>>
    %dma_wait3A_540 = tpu.memref_squeeze %dma_wait3A_539 : memref<1x32x1024xf32, #tpu.memory_space<vmem>> -> memref<32x1024xf32, #tpu.memory_space<vmem>>
    %dma_wait3A_541 = arith.constant 0 : i32
    %dma_wait3A_542 = tpu.memref_slice %arg3[%add3A_534, %dma_wait3A_541] : memref<8192x1024xf32, #tpu.memory_space<hbm>> -> memref<32x1024xf32, #tpu.memory_space<hbm>>
    %dma_wait3A_543 = tpu.memref_slice %arg7[%dma_wait3A_536] : memref<2x!tpu.dma_semaphore, #tpu.memory_space<semaphore_mem>> -> memref<1x!tpu.dma_semaphore, #tpu.memory_space<semaphore_mem>>
    %dma_wait3A_544 = tpu.memref_squeeze %dma_wait3A_543 : memref<1x!tpu.dma_semaphore, #tpu.memory_space<semaphore_mem>> -> memref<!tpu.dma_semaphore, #tpu.memory_space<semaphore_mem>>
    %dma_wait3A_545 = arith.constant 0 : i32
    %dma_wait3A_546 = tpu.memref_slice %arg3[%add3A_534, %dma_wait3A_545] : memref<8192x1024xf32, #tpu.memory_space<hbm>> -> memref<32x1024xf32, #tpu.memory_space<hbm>>
    %dma_wait3A_547 = arith.constant 0 : i32
    %dma_wait3A_548 = arith.constant 0 : i32
    %dma_wait3A_549 = tpu.memref_slice %arg4[%dma_wait3A_535, %dma_wait3A_547, %dma_wait3A_548] : memref<2x32x1024xf32, #tpu.memory_space<vmem>> -> memref<1x32x1024xf32, #tpu.memory_space<vmem>>
    %dma_wait3A_550 = tpu.memref_squeeze %dma_wait3A_549 : memref<1x32x1024xf32, #tpu.memory_space<vmem>> -> memref<32x1024xf32, #tpu.memory_space<vmem>>
    tpu.wait_dma2 semaphore(%dma_wait3A_544 : memref<!tpu.dma_semaphore, #tpu.memory_space<semaphore_mem>>) src(%dma_wait3A_550 : memref<32x1024xf32, #tpu.memory_space<vmem>>) dst(%dma_wait3A_546 : memref<32x1024xf32, #tpu.memory_space<hbm>>)
    %add3A_551 = arith.constant 160 : i32
    %add3A_552 = arith.addi %mul3A_2, %add3A_551 : i32
    %dma_wait3A_553 = arith.constant 1 : i32
    %dma_wait3A_554 = arith.constant 1 : i32
    %dma_wait3A_555 = arith.constant 0 : i32
    %dma_wait3A_556 = arith.constant 0 : i32
    %dma_wait3A_557 = tpu.memref_slice %arg4[%dma_wait3A_553, %dma_wait3A_555, %dma_wait3A_556] : memref<2x32x1024xf32, #tpu.memory_space<vmem>> -> memref<1x32x1024xf32, #tpu.memory_space<vmem>>
    %dma_wait3A_558 = tpu.memref_squeeze %dma_wait3A_557 : memref<1x32x1024xf32, #tpu.memory_space<vmem>> -> memref<32x1024xf32, #tpu.memory_space<vmem>>
    %dma_wait3A_559 = arith.constant 0 : i32
    %dma_wait3A_560 = tpu.memref_slice %arg3[%add3A_552, %dma_wait3A_559] : memref<8192x1024xf32, #tpu.memory_space<hbm>> -> memref<32x1024xf32, #tpu.memory_space<hbm>>
    %dma_wait3A_561 = tpu.memref_slice %arg7[%dma_wait3A_554] : memref<2x!tpu.dma_semaphore, #tpu.memory_space<semaphore_mem>> -> memref<1x!tpu.dma_semaphore, #tpu.memory_space<semaphore_mem>>
    %dma_wait3A_562 = tpu.memref_squeeze %dma_wait3A_561 : memref<1x!tpu.dma_semaphore, #tpu.memory_space<semaphore_mem>> -> memref<!tpu.dma_semaphore, #tpu.memory_space<semaphore_mem>>
    %dma_wait3A_563 = arith.constant 0 : i32
    %dma_wait3A_564 = tpu.memref_slice %arg3[%add3A_552, %dma_wait3A_563] : memref<8192x1024xf32, #tpu.memory_space<hbm>> -> memref<32x1024xf32, #tpu.memory_space<hbm>>
    %dma_wait3A_565 = arith.constant 0 : i32
    %dma_wait3A_566 = arith.constant 0 : i32
    %dma_wait3A_567 = tpu.memref_slice %arg4[%dma_wait3A_553, %dma_wait3A_565, %dma_wait3A_566] : memref<2x32x1024xf32, #tpu.memory_space<vmem>> -> memref<1x32x1024xf32, #tpu.memory_space<vmem>>
    %dma_wait3A_568 = tpu.memref_squeeze %dma_wait3A_567 : memref<1x32x1024xf32, #tpu.memory_space<vmem>> -> memref<32x1024xf32, #tpu.memory_space<vmem>>
    tpu.wait_dma2 semaphore(%dma_wait3A_562 : memref<!tpu.dma_semaphore, #tpu.memory_space<semaphore_mem>>) src(%dma_wait3A_568 : memref<32x1024xf32, #tpu.memory_space<vmem>>) dst(%dma_wait3A_564 : memref<32x1024xf32, #tpu.memory_space<hbm>>)
    return
  }
}

</mosaic_0001>

<sc_bundles>
// kernel: kernel.3.cloned.1.call-start
scs
__scs_entry_jumppad:
0x0: {  	(pc) =	sbr.rel $0x88, $3  }
0x1: {  	(tag) =	ssettag $0x0;
	lr =	simm.s32 $0x1  }
0x2: {  	[smem:$0x3FA0] =	sst lr;
	_ =	strace $0xD0000000  }
0x3: {  	_ = 	snop  }
0x4: {  	_ = 	snop  }
0x5: {  	_ = 	snop  }
0x6: {  	_ = 	snop  }
0x7: {  	_ = 	snop  }
__scs_overlays_trampoline_lowered:
0x8: {  	[smem:$0x3FAF] =	sst s0  }
0x9: {  	[smem:$0x3FB0] =	sst s1  }
0xa: {  	[smem:$0x3FB1] =	sst s2  }
0xb: {  	[smem:$0x3FB2] =	sst s3  }
0xc: {  	[smem:$0x3FB3] =	sst s4  }
0xd: {  	[smem:$0x3FB4] =	sst s5  }
0xe: {  	[smem:$0x3FB5] =	sst s6  }
0xf: {  	[smem:$0x3FB6] =	sst s7  }
0x10: {  	[smem:$0x3FB7] =	sst s8  }
0x11: {  	[smem:$0x3FB8] =	sst s9;
	s0 =	simm.s32 @!p0 $0x0  }
0x12: {  	s1 =	sld [smem:$0x3F9E];
	s0 =	simm.s32 @p0 $0x1  }
0x13: {  	[smem:$0x3FB9] =	sst s0;
	s0 =	simm.s32 @!p1 $0x0  }
0x14: {  	s2 =	sld [smem:$0x3F9D];
	s0 =	simm.s32 @p1 $0x1  }
0x15: {  	[smem:$0x3FBA] =	sst s0;
	s0 =	simm.s32 @!p2 $0x0  }
0x16: {  	s3 =	sld [smem:$0x3FDB];
	s0 =	simm.s32 @p2 $0x1  }
0x17: {  	s4 =	simm.s32 $0x1BF5;
	[smem:$0x3FBC] =	sst s0  }
0x18: {  	s0 =	sld [smem:$0x3F9F];
	_ =	swait.ge [sflag:s4], $0x0  }
0x19: {  	s7 =	sld [smem:$0x3FA0]  }
0x1a: {  	s8 =	sadd.s32 $0xFFFFE003, lr  }
0x1b: {  	s9 =	sadd.s32 $0xFFFFFEF7, lr;
	s5 =	simm.s32 $0xFFFFFFFF;
	p2 =	slt.u32 s8, $0xFFFFF086  }
0x1c: {  	p1 =	slt.u32 s9, $0xF7A;
	s5 =	simm.s32 @!p2 $0x0  }
0x1d: {  	s5 =	simm.s32 @p1 $0x1;
	p0 =	seq.s32 s7, s2  }
0x1e: {  	s7 =	smul.u32 @!p0 $0xF7A, s2;
	p2 =	seq.s32 @!p0 s5, $0x0  }
0x1f: {  	s9 =	smul.u32 $0xF7A, s1;
	s8 =	simm.s32 @!p0 $0x1BF5;
	p2 =	por !p2, p0  }
0x20: {  	[sflag:s8] =	ssyncset.s32 @!p0 $0xFFFFF086;
	s6 =	sadd.s32 @!p0 s3, s7;
	s7 =	simm.s32 @!p0 $0x108  }
0x21: {  	s3 =	sadd.s32 s3, s9;
	s6 =	sadd.s32 @!p0 $0x88, s6;
	s7 =	simm.s32 @p2 $0x1082  }
0x22: {  	[simem:s7], [sflag:s8] =	dma.local @!p0 [hbm:s6], $0xF7A  }
0x23: {  	s9 =	sor.u32 $0xD0000000, s2;
	s6 =	simm.s32 $0x108;
	_ =	swait.ge @!p0 [sflag:s8], $0x0  }
0x24: {  	s3 =	sadd.s32 $0x88, s3;
	s6 =	simm.s32 @!p1 $0x1082;
	[sflag:s4] =	ssyncset.s32 $0xFFFFF086  }
0x25: {  	[simem:s6], [sflag:s4] =	dma.local [hbm:s3], $0xF7A  }
0x26: {  	[smem:$0x3FA0] =	sst s1;
	(tag) =	ssettag s2;
	_ =	strace s9  }
0x27: {  	s1 =	sld [smem:$0x3FB0]  }
0x28: {  	s2 =	sld [smem:$0x3FB1]  }
0x29: {  	s4 =	sld [smem:$0x3FB3]  }
0x2a: {  	p0 =	seq.s32 s5, $0x0;
	s5 =	sld [smem:$0x3FB4]  }
0x2b: {  	s6 =	sld [smem:$0x3FB5]  }
0x2c: {  	s7 =	sld [smem:$0x3FB6]  }
0x2d: {  	s3 =	simm.s32 $0x108;
	s8 =	sld [smem:$0x3FB7]  }
0x2e: {  	s3 =	simm.s32 @!p0 $0x1082;
	s9 =	sld [smem:$0x3FB8]  }
0x2f: {  	lr =	sadd.s32 s0, s3;
	s0 =	sld [smem:$0x3FAF]  }
0x30: {  	s3 =	sld [smem:$0x3FB2]  }
0x31: {  	[smem:$0x3FBB] =	sst s10  }
0x32: {  	s10 =	sld [smem:$0x3FB9];
	_ =	sdelay $0x3  }
0x33: {  	p0 =	seq.s32 s10, $0x1;
	s10 =	sld [smem:$0x3FBB];
	_ =	sdelay $0x3  }
0x34: {  	[smem:$0x3FBB] =	sst s10  }
0x35: {  	s10 =	sld [smem:$0x3FBA];
	_ =	sdelay $0x3  }
0x36: {  	p1 =	seq.s32 s10, $0x1;
	s10 =	sld [smem:$0x3FBB];
	_ =	sdelay $0x3  }
0x37: {  	[smem:$0x3FBB] =	sst s10  }
0x38: {  	s10 =	sld [smem:$0x3FBC]  }
0x39: {  	_ = 	snop;
	(pc) =	sbr.ind lr, $3  }
0x3a: {  	_ = 	snop  }
0x3b: {  	_ = 	snop  }
0x3c: {  	p2 =	seq.s32 s10, $0x1;
	s10 =	sld [smem:$0x3FBB]  }
0x3d: {  	_ =	shalt  }
0x3e: {  	_ =	shalt  }
0x3f: {  	_ =	shalt  }
0x40: {  	_ =	shalt  }
0x41: {  	_ =	shalt  }
0x42: {  	_ =	shalt  }
0x43: {  	_ =	shalt  }
0x44: {  	_ =	shalt  }
0x45: {  	_ =	shalt  }
0x46: {  	_ =	shalt  }
0x47: {  	_ =	shalt  }
0x48: {  	_ =	shalt  }
0x49: {  	_ =	shalt  }
0x4a: {  	_ =	shalt  }
0x4b: {  	_ =	shalt  }
0x4c: {  	_ =	shalt  }
0x4d: {  	_ =	shalt  }
0x4e: {  	_ =	shalt  }
0x4f: {  	_ =	shalt  }
0x50: {  	_ =	shalt  }
0x51: {  	_ =	shalt  }
0x52: {  	_ =	shalt  }
0x53: {  	_ =	shalt  }
0x54: {  	_ =	shalt  }
0x55: {  	_ =	shalt  }
0x56: {  	_ =	shalt  }
0x57: {  	_ =	shalt  }
0x58: {  	_ =	shalt  }
0x59: {  	_ =	shalt  }
0x5a: {  	_ =	shalt  }
0x5b: {  	_ =	shalt  }
0x5c: {  	_ =	shalt  }
0x5d: {  	_ =	shalt  }
0x5e: {  	_ =	shalt  }
0x5f: {  	_ =	shalt  }
0x60: {  	_ =	shalt  }
0x61: {  	_ =	shalt  }
0x62: {  	_ =	shalt  }
0x63: {  	_ =	shalt  }
0x64: {  	_ =	shalt  }
0x65: {  	_ =	shalt  }
0x66: {  	_ =	shalt  }
0x67: {  	_ =	shalt  }
0x68: {  	_ =	shalt  }
0x69: {  	_ =	shalt  }
0x6a: {  	_ =	shalt  }
0x6b: {  	_ =	shalt  }
0x6c: {  	_ =	shalt  }
0x6d: {  	_ =	shalt  }
0x6e: {  	_ =	shalt  }
0x6f: {  	_ =	shalt  }
0x70: {  	_ =	shalt  }
0x71: {  	_ =	shalt  }
0x72: {  	_ =	shalt  }
0x73: {  	_ =	shalt  }
0x74: {  	_ =	shalt  }
0x75: {  	_ =	shalt  }
0x76: {  	_ =	shalt  }
0x77: {  	_ =	shalt  }
0x78: {  	_ =	shalt  }
0x79: {  	_ =	shalt  }
0x7a: {  	_ =	shalt  }
0x7b: {  	_ =	shalt  }
0x7c: {  	_ =	shalt  }
0x7d: {  	_ =	shalt  }
0x7e: {  	_ =	shalt  }
0x7f: {  	_ =	shalt  }
0x80: {  	_ =	shalt  }
0x81: {  	_ =	shalt  }
0x82: {  	_ =	shalt  }
0x83: {  	_ =	shalt  }
0x84: {  	_ =	shalt  }
0x85: {  	_ =	shalt  }
0x86: {  	_ =	shalt  }
0x87: {  	_ =	shalt  }
.Lfunc_end0:
.L_simem_size_0:
called_computation_lowered:
.L_overlay_start_0:
0x88: {  	s2 =	sld [smem:$0x3FD9]  }
0x89: {  	s3 =	sld [smem:$0x3FFE];
	_ =	sdelay $0x1  }
0x8a: {  	s1 =	srdreg.scid  }
0x8b: {  	s0 =	sand.u32 $0x1, s1  }
0x8c: {  	s18 =	sshll.u32 s0, $0xA;
	s2 =	sadd.s32 s3, s2  }
0x8d: {  	s2 =	sadd.s32 s2, s18  }
0x8e: {  	[smem:$0x3FC7] =	sst s2  }
0x8f: {  	_ = 	snop  }
0x90: {  	s2 =	sld [smem:$0x3FC9]  }
0x91: {  	s19 =	sld [smem:$0x3FD0];
	(tm) =	ssettm $0x1  }
0x92: {  	s4 =	sld [smem:$0x3FFB];
	_ =	sdelay $0x3  }
0x93: {  	_ =	strace s4  }
0x94: {  	s4 =	sld [smem:$0x3FFC];
	_ =	sdelay $0x3  }
0x95: {  	_ =	strace s4  }
0x96: {  	s4 =	sld [smem:$0x3FFD];
	_ =	sdelay $0x3  }
0x97: {  	_ =	strace s4  }
0x98: {  	_ =	strace $0x8FFFFFFF  }
0x99: {  	s20 =	sld [smem:$0x3FDB];
	_ =	sdelay $0x1  }
0x9a: {  	s5 =	simm.s32 $_scs_section_size  }
0x9b: {  	s6 =	simm.s32 $_size__tile_overlayer_lowered;
	s7 =	simm.s32 $_tile_overlayer_lowered  }
0x9c: {  	s23 =	simm.s32 $0x1BFF;
	s22 =	sshll.u32 s7, $0x1;
	s4 =	sadd.s32 s5, s20  }
0x9d: {  	s8 =	simm.s32 $0x0;
	s21 =	sshll.u32 s6, $0x1;
	s6 =	sadd.s32 s22, s4  }
0x9e: {  	[timem:s8], [sflag:s23] =	dma.local [hbm:s6], s21  }
0x9f: {  	_ =	swait.ge [sflag:s23], s21  }
0xa0: {  	s5 =	ssub.s32 $0x0, s21;
	[sflag:s23] =	ssyncset.done $0x0  }
0xa1: {  	[sflag:s23] =	ssyncadd.s32 s5;
	_ =	sdelay $0x1  }
0xa2: {  	s24 =	simm.s32 $0x1B8B  }
0xa3: {  	_ =	swait.ge [sflag:s24], $0x1  }
0xa4: {  	[sflag:s24] =	ssyncset.done $0x0  }
0xa5: {  	s25 =	simm.s32 $0x1B8E;
	[sflag:s24] =	ssyncadd.s32 $0xFFFFFFFF  }
0xa6: {  	s26 =	simm.s32 $execute0_lowered;
	[smem:$0x3FD2] =	sst s25  }
0xa7: {  	s5 =	sshll.u32 s26, $0x1;
	_ =	strace $0x80000046;
	[dreg:$0x1] =	wrdreg $0xFFFFFFFF  }
0xa8: {  	s28 =	simm.s32 $_size_execute0_lowered;
	s4 =	sadd.s32 s4, s5;
	[dreg:$0x0] =	wrdreg $0x0  }
0xa9: {  	s5 =	sshll.u32 s28, $0x1;
	[dreg:$0x2] =	wrdreg s4  }
0xaa: {  	[dreg:$0x3] =	wrdreg s5  }
0xab: {  	[dreg:$0x4] =	wrdreg $0xC0  }
0xac: {  	_ =	task [dreg:s8], $0x5FFFF  }
0xad: {  	[dreg:$0x1] =	wrdreg $0xFFFFFFFF  }
0xae: {  	[dreg:$0x0] =	wrdreg $0x60  }
0xaf: {  	[dreg:$0x2] =	wrdreg s2  }
0xb0: {  	[dreg:$0x3] =	wrdreg s19  }
0xb1: {  	[dreg:$0x4] =	wrdreg $0x100000  }
0xb2: {  	[dreg:$0x5] =	wrdreg $0x9  }
0xb3: {  	_ =	task.clear_ibuf [dreg:s8], $0x6FFFF;
	_ =	strace $0x90000046  }
0xb4: {  	s29 =	simm.s32 $0x9;
	_ =	strace $0x80000048  }
0xb5: {  	_ =	swait.ge [sflag:s29], $0x1  }
0xb6: {  	[sflag:s29] =	ssyncadd.s32 $0xFFFFFFFF  }
0xb7: {  	_ =	strace $0x90000048  }
0xb8: {  	_ =	sfence  }
0xb9: {  	s30 =	sld [smem:$0x0];
	_ =	sdelay $0x2  }
0xba: {  	s31 =	sshll.u32 s1, $0xD;
	s1 =	sshrl.u32 s1, $0x2  }
0xbb: {  	s3 =	sand.u32 $0x4000, s31;
	s1 =	sadd.s32 s1, s30  }
0xbc: {  	s0 =	sor.u32 s3, s0;
	s1 =	sshll.u32 s1, $0x11  }
0xbd: {  	s0 =	sor.u32 s1, s0  }
0xbe: {  	s0 =	sadd.s32 $0x8F2B, s0  }
0xbf: {  	[sflag:s0] =	ssyncadd.remote.s32 $0x1  }
0xc0: {  	_ =	sfence.sel $0xFFFF  }
0xc1: {  	[dreg:$0x0] =	wrdreg $0xFFFFFFFF;
	(pc) =	sbr.abs _section_cstart, $3  }
0xc2: {  	[dreg:$0x1] =	wrdreg $0xFFFFFFFF  }
0xc3: {  	_ =	task.clear_ibuf [dreg:s8], $0x2FFFF;
	_ =	strace $0x9FFFFFFF  }
0xc4: {  	(tm) =	ssettm $0x7FFFFFFF  }
0xc5: {  	_ =	shalt  }
tec
execute0_lowered:
.L_overlay_start_1:
0x0: {  	(tag) =	ssettag $0x1  }
0x1: {  	s28 =	rddreg [dreg:$0x0]  }
0x2: {  	s29 =	rddreg [dreg:$0x1];
	s2 =	srdreg.scid  }
0x3: {  	s3 =	rddreg [dreg:$0x2];
	s0 =	stileid.u32;
	s30 =	sand.u32 $0x1, s2  }
0x4: {  	s2 =	simm.s32 $0x0;
	s4 =	sshll.u32 s0, $0x10;
	s17 =	sshll.u32 s0, $0x6  }
0x5: {  	s5 =	sshll.u32 s30, $0xF;
	[smem:$0x7FF] =	sst s2;
	s23 =	sor.u32 $0x1C05, s17  }
0x6: {  	s31 =	sor.u32 s5, s4;
	_ =	strace $0x80000047;
	[dreg:$0x6] =	wrdreg s23  }
0x7: {  	s5 =	sadd.s32 s28, s31;
	s10 =	sor.u32 $0x6000, s31;
	s7 =	rddreg [dreg:$0x6]  }
0x8: {  	s14 =	sor.u32 $0x1000, s31;
	[dreg:$0x4] =	wrdreg s5;
	s22 =	sadd.s32 s28, s10  }
0x9: {  	s24 =	sadd.s32 s28, s14;
	[dreg:$0x5] =	wrdreg s22  }
0xa: {  	s15 =	sor.u32 $0x7000, s31;
	[dreg:$0x7] =	wrdreg s24  }
0xb: {  	s26 =	sadd.s32 s28, s15;
	s25 =	rddreg [dreg:$0x4]  }
0xc: {  	s4 =	sadd.s32 s4, s3;
	[dreg:$0x8] =	wrdreg s26  }
0xd: {  	s3 =	sshrl.u32 s4, $0x3;
	s0 =	sadd.s32 $0x8000, s4;
	s6 =	rddreg [dreg:$0x5]  }
0xe: {  	[tilespmem:s2], [sflag:$0x1] =	stream.linear.gather [hbm4b:s25+s2], $0x8000, $0x38;
	v63 =	vld [tilespmem:$0x0]  }
0xf: {  	[spmem:s3], [sflag:s7] =	dma.local [hbm:s6], $0x1000  }
0x10: {  	s4 =	simm.s32 $0x8000;
	s5 =	sshrl.u32 s0, $0x3;
	s8 =	rddreg [dreg:$0x7]  }
0x11: {  	s6 =	simm.s32 $0x1;
	s7 =	sor.u32 $0x1C06, s17;
	s9 =	rddreg [dreg:$0x8]  }
0x12: {  	[tilespmem:s4], [sflag:$0x2] =	stream.linear.gather [hbm4b:s8+s2], $0x8000, $0x38;
	v63 =	vld [tilespmem:$0x0]  }
0x13: {  	[spmem:s5], [sflag:s7] =	dma.local [hbm:s9], $0x1000  }
0x14: {  	_ =	swait.ge [sflag:s6], $0x8000  }
0x15: {  	[sflag:s6] =	ssyncset.done $0x0  }
0x16: {  	s8 =	simm.s32 $0x5;
	[sflag:s6] =	ssyncadd.s32 $0xFFFF8000  }
0x17: {  	_ =	swait.ge [sflag:s8], $0x1000  }
0x18: {  	s11 =	simm.s32 $0x2;
	s12 =	sor.u32 $0x1C07, s17;
	[sflag:s8] =	ssyncset.done $0x0  }
0x19: {  	s10 =	sadd.s32 s29, s10;
	s9 =	sadd.s32 s29, s31;
	[sflag:s8] =	ssyncadd.s32 $0xFFFFF000  }
0x1a: {  	[hbm4b:s9+s2] =	stream.linear.scatter [tilespmem:s2], [sflag:$0x3], $0x8000, $0x38;
	v63 =	vld [tilespmem:$0x0]  }
0x1b: {  	[hbm:s10], [sflag:s12] =	dma.local [spmem:s3], $0x1000  }
0x1c: {  	_ =	swait.ge [sflag:s11], $0x8000  }
0x1d: {  	[sflag:s11] =	ssyncset.done $0x0  }
0x1e: {  	s13 =	simm.s32 $0x6;
	[sflag:s11] =	ssyncadd.s32 $0xFFFF8000  }
0x1f: {  	_ =	swait.ge [sflag:s13], $0x1000  }
0x20: {  	s16 =	simm.s32 $0x3;
	s14 =	sadd.s32 s29, s14;
	[sflag:s13] =	ssyncset.done $0x0  }
0x21: {  	s15 =	sadd.s32 s29, s15;
	s17 =	sor.u32 $0x1C08, s17;
	[sflag:s13] =	ssyncadd.s32 $0xFFFFF000  }
0x22: {  	[hbm4b:s14+s2] =	stream.linear.scatter [tilespmem:s4], [sflag:$0x4], $0x8000, $0x38;
	v63 =	vld [tilespmem:$0x0]  }
0x23: {  	[hbm:s15], [sflag:s17] =	dma.local [spmem:s5], $0x1000  }
0x24: {  	_ =	swait.ge [sflag:s16], $0x8000  }
0x25: {  	[sflag:s16] =	ssyncset.done $0x0  }
0x26: {  	s18 =	simm.s32 $0x7;
	[sflag:s16] =	ssyncadd.s32 $0xFFFF8000  }
0x27: {  	_ =	swait.ge [sflag:s18], $0x1000  }
0x28: {  	s21 =	sor.u32 $0x2000, s31;
	[sflag:s18] =	ssyncset.done $0x0  }
0x29: {  	s20 =	simm.s32 $0x8;
	s19 =	sadd.s32 s28, s21;
	[sflag:s18] =	ssyncadd.s32 $0xFFFFF000  }
0x2a: {  	[tilespmem:s2], [sflag:$0x1] =	stream.linear.gather [hbm4b:s19+s2], $0x8000, $0x38;
	v63 =	vld [tilespmem:$0x0]  }
0x2b: {  	_ =	swait.ge [sflag:s20], $0x1000  }
0x2c: {  	[sflag:s20] =	ssyncset.done $0x0  }
0x2d: {  	[sflag:s20] =	ssyncadd.s32 $0xFFFFF000  }
0x2e: {  	_ =	swait.ge [sflag:s6], $0x8000  }
0x2f: {  	[sflag:s6] =	ssyncset.done $0x0  }
0x30: {  	s21 =	sadd.s32 s29, s21;
	s22 =	simm.s32 $0x4;
	[sflag:s6] =	ssyncadd.s32 $0xFFFF8000  }
0x31: {  	[hbm4b:s21+s2] =	stream.linear.scatter [tilespmem:s2], [sflag:$0x3], $0x8000, $0x38;
	v63 =	vld [tilespmem:$0x0]  }
0x32: {  	_ =	swait.ge [sflag:s22], $0x8000  }
0x33: {  	s24 =	sor.u32 $0x3000, s31;
	[sflag:s22] =	ssyncset.done $0x0  }
0x34: {  	s23 =	sadd.s32 s28, s24;
	[sflag:s22] =	ssyncadd.s32 $0xFFFF8000  }
0x35: {  	[tilespmem:s4], [sflag:$0x2] =	stream.linear.gather [hbm4b:s23+s2], $0x8000, $0x38;
	v63 =	vld [tilespmem:$0x0]  }
0x36: {  	_ =	swait.ge [sflag:s11], $0x8000  }
0x37: {  	[sflag:s11] =	ssyncset.done $0x0  }
0x38: {  	s24 =	sadd.s32 s29, s24;
	[sflag:s11] =	ssyncadd.s32 $0xFFFF8000  }
0x39: {  	[hbm4b:s24+s2] =	stream.linear.scatter [tilespmem:s4], [sflag:$0x4], $0x8000, $0x38;
	v63 =	vld [tilespmem:$0x0]  }
0x3a: {  	_ =	swait.ge [sflag:s16], $0x8000  }
0x3b: {  	s26 =	sor.u32 $0x4000, s31;
	[sflag:s16] =	ssyncset.done $0x0  }
0x3c: {  	s25 =	sadd.s32 s28, s26;
	[sflag:s16] =	ssyncadd.s32 $0xFFFF8000  }
0x3d: {  	[tilespmem:s2], [sflag:$0x1] =	stream.linear.gather [hbm4b:s25+s2], $0x8000, $0x38;
	v63 =	vld [tilespmem:$0x0]  }
0x3e: {  	_ =	swait.ge [sflag:s6], $0x8000  }
0x3f: {  	[sflag:s6] =	ssyncset.done $0x0  }
0x40: {  	s26 =	sadd.s32 s29, s26;
	[sflag:s6] =	ssyncadd.s32 $0xFFFF8000  }
0x41: {  	[hbm4b:s26+s2] =	stream.linear.scatter [tilespmem:s2], [sflag:$0x3], $0x8000, $0x38;
	v63 =	vld [tilespmem:$0x0]  }
0x42: {  	_ =	swait.ge [sflag:s22], $0x8000  }
0x43: {  	s30 =	ssub.s32 $0x2, s30;
	s31 =	sor.u32 $0x5000, s31;
	[sflag:s22] =	ssyncset.done $0x0  }
0x44: {  	s1 =	sshrl.u32 s30, $0x1;
	s28 =	sadd.s32 s28, s31;
	[sflag:s22] =	ssyncadd.s32 $0xFFFF8000  }
0x45: {  	[tilespmem:s4], [sflag:$0x2] =	stream.linear.gather [hbm4b:s28+s2], $0x8000, $0x38;
	v63 =	vld [tilespmem:$0x0]  }
0x46: {  	s30 =	ssub.s32 s30, s1;
	_ =	swait.ge [sflag:s11], $0x8000  }
0x47: {  	s30 =	smax.u32 s30, $0x1;
	[sflag:s11] =	ssyncset.done $0x0  }
0x48: {  	p0 =	sne.s32 s30, $0x1;
	s29 =	sadd.s32 s29, s31;
	[sflag:s11] =	ssyncadd.s32 $0xFFFF8000  }
0x49: {  	[hbm4b:s29+s2] =	stream.linear.scatter [tilespmem:s4], [sflag:$0x4], $0x8000, $0x38;
	v63 =	vld [tilespmem:$0x0]  }
.Ltmp0:
0x4a: {  	_ = 	snop;
	(pc) =	sbr.rel @!p0 .LBB2_2-.Ltmp0, $4  }
0x4b: {  	_ =	swait.ge [sflag:s16], $0x8000  }
0x4c: {  	[sflag:s16] =	ssyncset.done $0x0  }
0x4d: {  	[sflag:s16] =	ssyncadd.s32 $0xFFFF8000  }
0x4e: {  	s30 =	sadd.s32 $0xFFFFFFFF, s30;
	_ =	swait.ge [sflag:s22], $0x8000  }
.LBB2_1:
0x4f: {  	s31 =	rddreg [dreg:$0x4]  }
0x50: {  	s0 =	rddreg [dreg:$0x5];
	[sflag:s22] =	ssyncset.done $0x0  }
0x51: {  	s1 =	rddreg [dreg:$0x6];
	[sflag:s22] =	ssyncadd.s32 $0xFFFF8000  }
0x52: {  	[tilespmem:s2], [sflag:$0x1] =	stream.linear.gather [hbm4b:s31+s2], $0x8000, $0x38;
	v63 =	vld [tilespmem:$0x0]  }
0x53: {  	[spmem:s3], [sflag:s1] =	dma.local [hbm:s0], $0x1000  }
0x54: {  	s0 =	rddreg [dreg:$0x7]  }
0x55: {  	s1 =	rddreg [dreg:$0x8]  }
0x56: {  	[tilespmem:s4], [sflag:$0x2] =	stream.linear.gather [hbm4b:s0+s2], $0x8000, $0x38;
	v63 =	vld [tilespmem:$0x0]  }
0x57: {  	[spmem:s5], [sflag:s7] =	dma.local [hbm:s1], $0x1000  }
0x58: {  	_ =	swait.ge [sflag:s6], $0x8000  }
0x59: {  	[sflag:s6] =	ssyncset.done $0x0  }
0x5a: {  	[sflag:s6] =	ssyncadd.s32 $0xFFFF8000  }
0x5b: {  	_ =	swait.ge [sflag:s8], $0x1000  }
0x5c: {  	[sflag:s8] =	ssyncset.done $0x0  }
0x5d: {  	[sflag:s8] =	ssyncadd.s32 $0xFFFFF000  }
0x5e: {  	[hbm4b:s9+s2] =	stream.linear.scatter [tilespmem:s2], [sflag:$0x3], $0x8000, $0x38;
	v63 =	vld [tilespmem:$0x0]  }
0x5f: {  	[hbm:s10], [sflag:s12] =	dma.local [spmem:s3], $0x1000  }
0x60: {  	_ =	swait.ge [sflag:s11], $0x8000  }
0x61: {  	[sflag:s11] =	ssyncset.done $0x0  }
0x62: {  	[sflag:s11] =	ssyncadd.s32 $0xFFFF8000  }
0x63: {  	_ =	swait.ge [sflag:s13], $0x1000  }
0x64: {  	[sflag:s13] =	ssyncset.done $0x0  }
0x65: {  	[sflag:s13] =	ssyncadd.s32 $0xFFFFF000  }
0x66: {  	[hbm4b:s14+s2] =	stream.linear.scatter [tilespmem:s4], [sflag:$0x4], $0x8000, $0x38;
	v63 =	vld [tilespmem:$0x0]  }
0x67: {  	[hbm:s15], [sflag:s17] =	dma.local [spmem:s5], $0x1000  }
0x68: {  	_ =	swait.ge [sflag:s16], $0x8000  }
0x69: {  	[sflag:s16] =	ssyncset.done $0x0  }
0x6a: {  	[sflag:s16] =	ssyncadd.s32 $0xFFFF8000  }
0x6b: {  	_ =	swait.ge [sflag:s18], $0x1000  }
0x6c: {  	[sflag:s18] =	ssyncset.done $0x0  }
0x6d: {  	[sflag:s18] =	ssyncadd.s32 $0xFFFFF000  }
0x6e: {  	[tilespmem:s2], [sflag:$0x1] =	stream.linear.gather [hbm4b:s19+s2], $0x8000, $0x38;
	v63 =	vld [tilespmem:$0x0]  }
0x6f: {  	_ =	swait.ge [sflag:s20], $0x1000  }
0x70: {  	[sflag:s20] =	ssyncset.done $0x0  }
0x71: {  	[sflag:s20] =	ssyncadd.s32 $0xFFFFF000  }
0x72: {  	_ =	swait.ge [sflag:s6], $0x8000  }
0x73: {  	[sflag:s6] =	ssyncset.done $0x0  }
0x74: {  	[sflag:s6] =	ssyncadd.s32 $0xFFFF8000  }
0x75: {  	[hbm4b:s21+s2] =	stream.linear.scatter [tilespmem:s2], [sflag:$0x3], $0x8000, $0x38;
	v63 =	vld [tilespmem:$0x0]  }
0x76: {  	_ =	swait.ge [sflag:s22], $0x8000  }
0x77: {  	[sflag:s22] =	ssyncset.done $0x0  }
0x78: {  	[sflag:s22] =	ssyncadd.s32 $0xFFFF8000  }
0x79: {  	[tilespmem:s4], [sflag:$0x2] =	stream.linear.gather [hbm4b:s23+s2], $0x8000, $0x38;
	v63 =	vld [tilespmem:$0x0]  }
0x7a: {  	_ =	swait.ge [sflag:s11], $0x8000  }
0x7b: {  	[sflag:s11] =	ssyncset.done $0x0  }
0x7c: {  	[sflag:s11] =	ssyncadd.s32 $0xFFFF8000  }
0x7d: {  	[hbm4b:s24+s2] =	stream.linear.scatter [tilespmem:s4], [sflag:$0x4], $0x8000, $0x38;
	v63 =	vld [tilespmem:$0x0]  }
0x7e: {  	_ =	swait.ge [sflag:s16], $0x8000  }
0x7f: {  	[sflag:s16] =	ssyncset.done $0x0  }
0x80: {  	[sflag:s16] =	ssyncadd.s32 $0xFFFF8000  }
0x81: {  	[tilespmem:s2], [sflag:$0x1] =	stream.linear.gather [hbm4b:s25+s2], $0x8000, $0x38;
	v63 =	vld [tilespmem:$0x0]  }
0x82: {  	_ =	swait.ge [sflag:s6], $0x8000  }
0x83: {  	[sflag:s6] =	ssyncset.done $0x0  }
0x84: {  	[sflag:s6] =	ssyncadd.s32 $0xFFFF8000  }
0x85: {  	[hbm4b:s26+s2] =	stream.linear.scatter [tilespmem:s2], [sflag:$0x3], $0x8000, $0x38;
	v63 =	vld [tilespmem:$0x0]  }
0x86: {  	_ =	swait.ge [sflag:s22], $0x8000  }
0x87: {  	[sflag:s22] =	ssyncset.done $0x0  }
0x88: {  	[sflag:s22] =	ssyncadd.s32 $0xFFFF8000  }
0x89: {  	[tilespmem:s4], [sflag:$0x2] =	stream.linear.gather [hbm4b:s28+s2], $0x8000, $0x38;
	v63 =	vld [tilespmem:$0x0]  }
0x8a: {  	_ =	swait.ge [sflag:s11], $0x8000  }
0x8b: {  	[sflag:s11] =	ssyncset.done $0x0  }
0x8c: {  	p0 =	sne.s32 s30, $0x1;
	[sflag:s11] =	ssyncadd.s32 $0xFFFF8000  }
0x8d: {  	[hbm4b:s29+s2] =	stream.linear.scatter [tilespmem:s4], [sflag:$0x4], $0x8000, $0x38;
	v63 =	vld [tilespmem:$0x0]  }
.Ltmp1:
0x8e: {  	_ = 	snop;
	(pc) =	sbr.rel @p0 .LBB2_1-.Ltmp1, $4  }
0x8f: {  	_ =	swait.ge [sflag:s16], $0x8000  }
0x90: {  	[sflag:s16] =	ssyncset.done $0x0  }
0x91: {  	[sflag:s16] =	ssyncadd.s32 $0xFFFF8000  }
0x92: {  	s30 =	sadd.s32 $0xFFFFFFFF, s30;
	_ =	swait.ge [sflag:s22], $0x8000  }
.LBB2_2:
0x93: {  	[sflag:s22] =	ssyncset.done $0x0  }
0x94: {  	[sflag:s22] =	ssyncadd.s32 $0xFFFF8000  }
0x95: {  	_ =	sfence.sel $0x180000  }
0x96: {  	[bflag:$0x0] =	sbarrier.arrive $0xFFFF  }
0x97: {  	_ =	strace $0x90000047  }
0x98: {  	s0 =	stileid.u32;
	[bflag:$0x2] =	sbarrier.arrive $0xFFFF  }
0x99: {  	p0 =	sne.s32 s0, $0x0;
	s0 =	rddreg [dreg:$0x3]  }
0x9a: {  	s0 =	sadd.s32 @!p0 $0x100000, s0  }
0x9b: {  	[sflag:s0] =	ssyncadd.tile.s32 @!p0 $0x1;
	_ =	shalt  }
.Lfunc_end2:
_tile_overlayer_lowered:
.L_overlay_start_2:
0x9c: {  	(tag) =	ssettag $0x2  }
0x9d: {  	s0 =	rddreg [dreg:$0x0];
	s2 =	stileid.u32  }
0x9e: {  	s1 =	rddreg [dreg:$0x1];
	p0 =	sne.s32 s2, $0x0  }
0x9f: {  	s3 =	rddreg [dreg:$0x2];
	[bflag:$0x3] =	sbarrier.arrive $0xFFFF;
	s2 =	simm.s32 @!p0 $0x1C09  }
0xa0: {  	[timem:s3], [sflag:s2] =	dma.local @!p0 [hbm:s0], s1  }
0xa1: {  	s0 =	simm.s32 @!p0 $0x9  }
0xa2: {  	_ =	swait.ge @!p0 [sflag:s0], s1  }
0xa3: {  	s1 =	ssub.s32 @!p0 $0x0, s1;
	[sflag:s0] =	ssyncset.done @!p0 $0x0  }
0xa4: {  	[sflag:s0] =	ssyncadd.s32 @!p0 s1  }
0xa5: {  	[bflag:$0x3] =	sbarrier.arrive $0xFFFF  }
0xa6: {  	_ =	shalt  }

</sc_bundles>
